<compile_context>
chip_gen: v7x
topology: tpu7x:2x2x1
jax: 0.10.2.dev20260603
libtpu: 0.0.44.dev20260713+nightly
codegen_flags: <defaults>
</compile_context>

<pallas_src>
import functools

import jax
import jax.numpy as jnp
from jax import lax
from jax.experimental import pallas as pl
from jax.experimental.pallas import tpu as pltpu
from jax.experimental.pallas import tpu_sc as plsc

_SC_HEAD = 768
_K = 128
_TB = 256


def _tc_body(y_ref, x_ref, loc_ref, W2_ref, bf_ref, W1_ref, w0_ref, c_ref,
             d_ref, ovt_ref):
    xb = x_ref[0]
    xb = jnp.where(jnp.isnan(xb), 0.0, xb)
    xa = jnp.dot(xb, W2_ref[...], preferred_element_type=jnp.float32)
    xa = xa + bf_ref[...]
    k = jax.lax.broadcasted_iota(jnp.int32, xa.shape, 1) % 6
    feat = jnp.where(k == 0, xa, jnp.sin(xa))
    tp = jnp.dot(feat, W1_ref[...], preferred_element_type=jnp.float32)
    base = loc_ref[...] + tp + c_ref[...]
    yb = y_ref[0]
    nanm = jnp.isnan(yb)
    y0 = jnp.where(nanm, 0.0, yb)
    nf = nanm.astype(jnp.float32)
    w0 = w0_ref[...]
    dl = d_ref[...]
    for i in range(8):
        ovt_ref[0, i] = base + y0[:, i:i + 1] * w0 + nf[:, i:i + 1] * dl


def _val_time_tc(y, x, local_emb_table, W2, b_flat, vt_W1, w0row, crow, drow):
    bs, L, d_y = y.shape
    d_x = x.shape[-1]
    d_model = local_emb_table.shape[-1]
    TD = W2.shape[1]
    nt = L // _TB
    vt4 = pl.pallas_call(
        _tc_body,
        grid=(bs, nt),
        in_specs=[
            pl.BlockSpec((1, _TB, d_y), lambda b, t: (b, t, 0)),
            pl.BlockSpec((1, _TB, d_x), lambda b, t: (b, t, 0)),
            pl.BlockSpec((_TB, d_model), lambda b, t: (t, 0)),
            pl.BlockSpec((d_x, TD), lambda b, t: (0, 0)),
            pl.BlockSpec((1, TD), lambda b, t: (0, 0)),
            pl.BlockSpec((TD, d_model), lambda b, t: (0, 0)),
            pl.BlockSpec((1, d_model), lambda b, t: (0, 0)),
            pl.BlockSpec((1, d_model), lambda b, t: (0, 0)),
            pl.BlockSpec((1, d_model), lambda b, t: (0, 0)),
        ],
        out_specs=pl.BlockSpec((1, d_y, _TB, d_model),
                               lambda b, t: (b, 0, t, 0)),
        out_shape=jax.ShapeDtypeStruct((bs, d_y, L, d_model), jnp.float32),
        compiler_params=pltpu.CompilerParams(
            dimension_semantics=("parallel", "parallel")),
    )(y, x, local_emb_table, W2, b_flat, vt_W1, w0row, crow, drow)
    return vt4.reshape(bs, d_y * L, d_model)


def _space_sc_head(space_table, bs, L, d_model):
    d_y = space_table.shape[0]
    info = plsc.get_sparse_core_info()
    NW = info.num_cores * info.num_subcores
    mesh = plsc.VectorSubcoreMesh(core_axis_name="c", subcore_axis_name="s")

    @functools.partial(
        pl.kernel, mesh=mesh,
        out_type=jax.ShapeDtypeStruct((NW, L, d_model), jnp.float32),
        scratch_types=[
            pltpu.VMEM((_K,), jnp.int32),
            pltpu.VMEM((_K, d_model), jnp.float32),
            pltpu.SemaphoreType.DMA,
        ],
    )
    def k(table_hbm, out_hbm, idx_v, buf, sem):
        wid = lax.axis_index("s") * info.num_cores + lax.axis_index("c")
        tid = wid % d_y
        splat = jnp.full((16,), tid, dtype=jnp.int32)
        for c in range(_K // 16):
            idx_v[pl.ds(c * 16, 16)] = splat
        pltpu.async_copy(table_hbm.at[idx_v], buf, sem).wait()
        copies = [
            pltpu.async_copy(buf, out_hbm.at[wid, pl.ds(j * _K, _K)], sem)
            for j in range(_SC_HEAD // _K)
        ]
        for c in copies:
            c.wait()

    return k(space_table)


def _space_tc_tail(space_table, sp_head, bs, L, d_model):
    d_y = space_table.shape[0]
    t0 = _SC_HEAD // _TB
    n_tail = (L - _SC_HEAD) // _TB

    def body(sp_ref, alias_ref, out_ref):
        del alias_ref
        for i in range(d_y):
            out_ref[0, i] = jnp.broadcast_to(sp_ref[i:i + 1, :],
                                             (_TB, d_model))

    sp4 = pl.pallas_call(
        body,
        grid=(bs, n_tail),
        in_specs=[
            pl.BlockSpec((d_y, d_model), lambda b, t: (0, 0)),
            pl.BlockSpec(memory_space=pltpu.MemorySpace.HBM),
        ],
        out_specs=pl.BlockSpec((1, d_y, _TB, d_model),
                               lambda b, t: (b, 0, t + t0, 0)),
        out_shape=jax.ShapeDtypeStruct((bs, d_y, L, d_model), jnp.float32),
        input_output_aliases={1: 0},
        compiler_params=pltpu.CompilerParams(
            dimension_semantics=("parallel", "parallel")),
    )(space_table, sp_head)
    return sp4.reshape(bs, d_y * L, d_model)


def kernel(y, x, local_emb_table, time_w, time_b, vt_W, vt_b, space_table,
           given_table):
    bs, L, d_y = y.shape
    d_x = x.shape[-1]
    d_model = local_emb_table.shape[-1]
    E = time_w.shape[1]
    TD = d_x * E

    W2 = (jnp.eye(d_x, dtype=jnp.float32)[:, :, None]
          * time_w[None, :, :]).reshape(d_x, TD)
    b_flat = time_b.reshape(1, TD)
    vt_W1 = vt_W[1:]
    w0row = vt_W[0:1]
    crow = (vt_b + given_table[1])[None, :]
    drow = (given_table[0] - given_table[1])[None, :]

    sp_head = _space_sc_head(space_table, bs, L, d_model)
    sp_head = sp_head.reshape(bs, d_y, L, d_model)
    vt = _val_time_tc(y, x, local_emb_table, W2, b_flat, vt_W1, w0row, crow,
                      drow)
    sp = _space_tc_tail(space_table, sp_head, bs, L, d_model)
    return (vt, sp)

# --- scband reference (transcript-rebuilt; emitter-appended) ---
"""Pipeline reference for scband-spacetimeformer-embedding-9457517986510 (READ-ONLY COPY).

The authoritative reference and input builder live on the scoring server;
editing this copy changes nothing except your own understanding.
"""

import jax, jax.numpy as jnp
import numpy as np

BS = 4
LENGTH = 2048
D_Y = 8
D_X = 4
D_MODEL = 768
TIME_EMB_DIM = 6
TIME_DIM = TIME_EMB_DIM * D_X
MAX_SEQ_LEN = 2048


def time2vec(x, w, b):
    # x: (bs, L, d_x); w,b: (d_x, emb_per). Equivalent to diag_embed(x) @ w + b.
    xa = x[..., :, None] * w + b            # (bs, L, d_x, emb_per)
    x0 = xa[..., :1]
    xr = jnp.sin(xa[..., 1:])
    out = jnp.concatenate([x0, xr], axis=-1)
    return out.reshape(out.shape[0], out.shape[1], -1)  # (bs, L, d_x*emb_per)


def setup_inputs(seed: int = 0) -> dict:
    key = jax.random.key(seed)
    ks = jax.random.split(key, 9)
    y = jax.random.normal(ks[0], (BS, LENGTH, D_Y), dtype=jnp.float32)
    x = jax.random.uniform(ks[1], (BS, LENGTH, D_X), dtype=jnp.float32)
    local_emb_table = jax.random.normal(ks[2], (MAX_SEQ_LEN, D_MODEL), dtype=jnp.float32) * 0.02
    time_w = jax.random.normal(ks[3], (D_X, TIME_EMB_DIM), dtype=jnp.float32)
    time_b = jax.random.normal(ks[4], (D_X, TIME_EMB_DIM), dtype=jnp.float32)
    vt_W = jax.random.normal(ks[5], (1 + TIME_DIM, D_MODEL), dtype=jnp.float32) * 0.02
    vt_b = jnp.zeros((D_MODEL,), dtype=jnp.float32)
    space_table = jax.random.normal(ks[6], (D_Y, D_MODEL), dtype=jnp.float32) * 0.02
    given_table = jax.random.normal(ks[7], (2, D_MODEL), dtype=jnp.float32) * 0.02
    return {"y": y, "x": x, "local_emb_table": local_emb_table, "time_w": time_w,
            "time_b": time_b, "vt_W": vt_W, "vt_b": vt_b,
            "space_table": space_table, "given_table": given_table}


def reference(y, x, local_emb_table, time_w, time_b, vt_W, vt_b, space_table, given_table):
    bs, length, d_y = y.shape
    # abs position embedding over flattened (d_y, length) token axis
    local_pos = jnp.tile(jnp.arange(length), d_y)                     # (d_y*length,)
    local_pos = jnp.broadcast_to(local_pos[None, :], (bs, d_y * length))
    local_emb = jnp.take(local_emb_table, local_pos, axis=0)          # (bs, d_y*L, d_model)
    # Time2Vec over x repeated per variable
    x = jnp.nan_to_num(x)
    x_rep = jnp.tile(x, (1, d_y, 1))                                  # (bs, d_y*L, d_x)
    time_emb = time2vec(x_rep, time_w, time_b)                        # (bs, d_y*L, TIME_DIM)
    true_null = jnp.isnan(y)
    y = jnp.nan_to_num(y)
    # chunk y per variable along last dim, concat along token axis
    y_flat = jnp.concatenate([y[..., i:i + 1] for i in range(d_y)], axis=1)  # (bs, d_y*L, 1)
    val_time_inp = jnp.concatenate([y_flat, time_emb], axis=-1)
    val_time_emb = val_time_inp @ vt_W + vt_b                         # (bs, d_y*L, d_model)
    # "given" flag embedding (encoder: all observed unless NaN)
    given = jnp.ones((bs, length, d_y), dtype=jnp.int32)
    given = given * (~true_null).astype(jnp.int32)
    given = jnp.squeeze(jnp.concatenate([given[..., i:i + 1] for i in range(d_y)], axis=1), -1)
    given_emb = jnp.take(given_table, given, axis=0)
    val_time_emb = local_emb + val_time_emb + given_emb
    # space (variable id) embedding
    var_idx = jnp.repeat(jnp.arange(d_y), length)
    var_idx = jnp.broadcast_to(var_idx[None, :], (bs, d_y * length))
    space_emb = jnp.take(space_table, var_idx, axis=0)
    return (val_time_emb, space_emb)

if __name__ == "__main__":
    import jax
    _d = setup_inputs()
    print(jax.jit(kernel)(*tuple(_d.values())))

</pallas_src>

<mosaic_0001>
#map = affine_map<(d0, d1) -> (0, 0)>
#map1 = affine_map<(d0, d1) -> (0, 0, 0)>
module attributes {stable_mosaic.version = 14 : i64} {
  func.func @k(%arg0: i32, %arg1: i32, %arg2: memref<8x768xf32, #tpu.memory_space<hbm>>, %arg3: memref<32x2048x768xf32, #tpu.memory_space<hbm>>, %arg4: memref<128xi32, #tpu.memory_space<vmem>>, %arg5: memref<128x768xf32, #tpu.memory_space<vmem>>, %arg6: memref<!tpu.dma_semaphore, #tpu.memory_space<semaphore_mem>>) attributes {dimension_semantics = [#tpu.dimension_semantics<core_parallel>, #tpu.dimension_semantics<subcore_parallel>], iteration_bounds = array<i64: 2, 16>, scalar_prefetch = 0 : i64, scratch_operands = 3 : i64, tpu.core_type = #tpu.core_type<sc_vector_subcore>, window_params = [{transform_indices = #map}, {transform_indices = #map1}]} {
    %mul3A = arith.constant 2 : i32
    %mul3A_0 = arith.muli %arg1, %mul3A : i32
    %add3A = arith.addi %mul3A_0, %arg0 : i32
    %jit3A = arith.constant 8 : i32
    %eq3A = arith.constant 0 : i32
    %eq3A_1 = arith.cmpi eq, %jit3A, %eq3A : i32
    %jit3A_2 = arith.constant 1 : i32
    %select_n3A = arith.select %eq3A_1, %jit3A_2, %jit3A : i32
    %rem3A = arith.remsi %add3A, %select_n3A : i32
    %ne3A = arith.constant 0 : i32
    %ne3A_3 = arith.cmpi ne, %rem3A, %ne3A : i32
    %lt3A = arith.constant 0 : i32
    %lt3A_4 = arith.cmpi slt, %rem3A, %lt3A : i32
    %lt3A_5 = arith.constant 0 : i32
    %lt3A_6 = arith.cmpi slt, %select_n3A, %lt3A_5 : i32
    %ne3A_7 = arith.xori %lt3A_4, %lt3A_6 : i1
    %and3A = arith.andi %ne3A_7, %ne3A_3 : i1
    %add3A_8 = arith.addi %rem3A, %select_n3A : i32
    %select_n3A_9 = arith.select %and3A, %add3A_8, %rem3A : i32
    %broadcast_in_dim3A = vector.broadcast %select_n3A_9 : i32 to vector<16xi32>
    %swap3A = arith.constant 0 : index
    %swap3A_10 = tpu.vector_load %arg4[%swap3A] {strides = array<i32>} : memref<128xi32, #tpu.memory_space<vmem>>, vector<16xi32>,
    %swap3A_11 = vector.shape_cast %swap3A_10 : vector<16xi32> to vector<16xi32>
    %swap3A_12 = vector.shape_cast %broadcast_in_dim3A : vector<16xi32> to vector<16xi32>
    tpu.vector_store %arg4[%swap3A], %swap3A_12 {strides = array<i32>} : memref<128xi32, #tpu.memory_space<vmem>>, vector<16xi32>,
    %swap3A_13 = arith.constant 16 : index
    %swap3A_14 = tpu.vector_load %arg4[%swap3A_13] {strides = array<i32>} : memref<128xi32, #tpu.memory_space<vmem>>, vector<16xi32>,
    %swap3A_15 = vector.shape_cast %swap3A_14 : vector<16xi32> to vector<16xi32>
    %swap3A_16 = vector.shape_cast %broadcast_in_dim3A : vector<16xi32> to vector<16xi32>
    tpu.vector_store %arg4[%swap3A_13], %swap3A_16 {strides = array<i32>} : memref<128xi32, #tpu.memory_space<vmem>>, vector<16xi32>,
    %swap3A_17 = arith.constant 32 : index
    %swap3A_18 = tpu.vector_load %arg4[%swap3A_17] {strides = array<i32>} : memref<128xi32, #tpu.memory_space<vmem>>, vector<16xi32>,
    %swap3A_19 = vector.shape_cast %swap3A_18 : vector<16xi32> to vector<16xi32>
    %swap3A_20 = vector.shape_cast %broadcast_in_dim3A : vector<16xi32> to vector<16xi32>
    tpu.vector_store %arg4[%swap3A_17], %swap3A_20 {strides = array<i32>} : memref<128xi32, #tpu.memory_space<vmem>>, vector<16xi32>,
    %swap3A_21 = arith.constant 48 : index
    %swap3A_22 = tpu.vector_load %arg4[%swap3A_21] {strides = array<i32>} : memref<128xi32, #tpu.memory_space<vmem>>, vector<16xi32>,
    %swap3A_23 = vector.shape_cast %swap3A_22 : vector<16xi32> to vector<16xi32>
    %swap3A_24 = vector.shape_cast %broadcast_in_dim3A : vector<16xi32> to vector<16xi32>
    tpu.vector_store %arg4[%swap3A_21], %swap3A_24 {strides = array<i32>} : memref<128xi32, #tpu.memory_space<vmem>>, vector<16xi32>,
    %swap3A_25 = arith.constant 64 : index
    %swap3A_26 = tpu.vector_load %arg4[%swap3A_25] {strides = array<i32>} : memref<128xi32, #tpu.memory_space<vmem>>, vector<16xi32>,
    %swap3A_27 = vector.shape_cast %swap3A_26 : vector<16xi32> to vector<16xi32>
    %swap3A_28 = vector.shape_cast %broadcast_in_dim3A : vector<16xi32> to vector<16xi32>
    tpu.vector_store %arg4[%swap3A_25], %swap3A_28 {strides = array<i32>} : memref<128xi32, #tpu.memory_space<vmem>>, vector<16xi32>,
    %swap3A_29 = arith.constant 80 : index
    %swap3A_30 = tpu.vector_load %arg4[%swap3A_29] {strides = array<i32>} : memref<128xi32, #tpu.memory_space<vmem>>, vector<16xi32>,
    %swap3A_31 = vector.shape_cast %swap3A_30 : vector<16xi32> to vector<16xi32>
    %swap3A_32 = vector.shape_cast %broadcast_in_dim3A : vector<16xi32> to vector<16xi32>
    tpu.vector_store %arg4[%swap3A_29], %swap3A_32 {strides = array<i32>} : memref<128xi32, #tpu.memory_space<vmem>>, vector<16xi32>,
    %swap3A_33 = arith.constant 96 : index
    %swap3A_34 = tpu.vector_load %arg4[%swap3A_33] {strides = array<i32>} : memref<128xi32, #tpu.memory_space<vmem>>, vector<16xi32>,
    %swap3A_35 = vector.shape_cast %swap3A_34 : vector<16xi32> to vector<16xi32>
    %swap3A_36 = vector.shape_cast %broadcast_in_dim3A : vector<16xi32> to vector<16xi32>
    tpu.vector_store %arg4[%swap3A_33], %swap3A_36 {strides = array<i32>} : memref<128xi32, #tpu.memory_space<vmem>>, vector<16xi32>,
    %swap3A_37 = arith.constant 112 : index
    %swap3A_38 = tpu.vector_load %arg4[%swap3A_37] {strides = array<i32>} : memref<128xi32, #tpu.memory_space<vmem>>, vector<16xi32>,
    %swap3A_39 = vector.shape_cast %swap3A_38 : vector<16xi32> to vector<16xi32>
    %swap3A_40 = vector.shape_cast %broadcast_in_dim3A : vector<16xi32> to vector<16xi32>
    tpu.vector_store %arg4[%swap3A_37], %swap3A_40 {strides = array<i32>} : memref<128xi32, #tpu.memory_space<vmem>>, vector<16xi32>,
    %dma_start3A = arith.constant 0 : i32
    %dma_start3A_41 = arith.constant 0 : i32
    %dma_start3A_42 = tpu.memref_slice %arg2[%dma_start3A, %dma_start3A_41] : memref<8x768xf32, #tpu.memory_space<hbm>> -> memref<8x768xf32, #tpu.memory_space<hbm>>
    tpu.enqueue_indirect_dma source(%dma_start3A_42 : memref<8x768xf32, #tpu.memory_space<hbm>>) target(%arg5 : memref<128x768xf32, #tpu.memory_space<vmem>>) offsets(%arg4 : memref<128xi32, #tpu.memory_space<vmem>>) semaphore(%arg6 : memref<!tpu.dma_semaphore, #tpu.memory_space<semaphore_mem>>)
    %dma_wait3A = arith.constant 0 : i32
    %dma_wait3A_43 = arith.constant 0 : i32
    %dma_wait3A_44 = tpu.memref_slice %arg2[%dma_wait3A, %dma_wait3A_43] : memref<8x768xf32, #tpu.memory_space<hbm>> -> memref<8x768xf32, #tpu.memory_space<hbm>>
    tpu.wait_indirect_dma semaphore(%arg6 : memref<!tpu.dma_semaphore, #tpu.memory_space<semaphore_mem>>) src(%dma_wait3A_44 : memref<8x768xf32, #tpu.memory_space<hbm>>) dst(%arg5 : memref<128x768xf32, #tpu.memory_space<vmem>>)
    %dma_start3A_45 = arith.constant 0 : i32
    %dma_start3A_46 = arith.constant 0 : i32
    %dma_start3A_47 = tpu.memref_slice %arg3[%add3A, %dma_start3A_45, %dma_start3A_46] : memref<32x2048x768xf32, #tpu.memory_space<hbm>> -> memref<1x128x768xf32, #tpu.memory_space<hbm>>
    %dma_start3A_48 = tpu.memref_squeeze %dma_start3A_47 : memref<1x128x768xf32, #tpu.memory_space<hbm>> -> memref<128x768xf32, #tpu.memory_space<hbm>>
    %dma_start3A_49 = arith.constant 0 : i32
    %dma_start3A_50 = arith.constant 0 : i32
    %dma_start3A_51 = tpu.memref_slice %arg3[%add3A, %dma_start3A_49, %dma_start3A_50] : memref<32x2048x768xf32, #tpu.memory_space<hbm>> -> memref<1x128x768xf32, #tpu.memory_space<hbm>>
    %dma_start3A_52 = tpu.memref_squeeze %dma_start3A_51 : memref<1x128x768xf32, #tpu.memory_space<hbm>> -> memref<128x768xf32, #tpu.memory_space<hbm>>
    tpu.enqueue_dma source(%arg5 : memref<128x768xf32, #tpu.memory_space<vmem>>) target(%dma_start3A_52 : memref<128x768xf32, #tpu.memory_space<hbm>>) target_semaphore(%arg6 : memref<!tpu.dma_semaphore, #tpu.memory_space<semaphore_mem>>)
    %dma_start3A_53 = arith.constant 128 : i32
    %dma_start3A_54 = arith.constant 0 : i32
    %dma_start3A_55 = tpu.memref_slice %arg3[%add3A, %dma_start3A_53, %dma_start3A_54] : memref<32x2048x768xf32, #tpu.memory_space<hbm>> -> memref<1x128x768xf32, #tpu.memory_space<hbm>>
    %dma_start3A_56 = tpu.memref_squeeze %dma_start3A_55 : memref<1x128x768xf32, #tpu.memory_space<hbm>> -> memref<128x768xf32, #tpu.memory_space<hbm>>
    %dma_start3A_57 = arith.constant 128 : i32
    %dma_start3A_58 = arith.constant 0 : i32
    %dma_start3A_59 = tpu.memref_slice %arg3[%add3A, %dma_start3A_57, %dma_start3A_58] : memref<32x2048x768xf32, #tpu.memory_space<hbm>> -> memref<1x128x768xf32, #tpu.memory_space<hbm>>
    %dma_start3A_60 = tpu.memref_squeeze %dma_start3A_59 : memref<1x128x768xf32, #tpu.memory_space<hbm>> -> memref<128x768xf32, #tpu.memory_space<hbm>>
    tpu.enqueue_dma source(%arg5 : memref<128x768xf32, #tpu.memory_space<vmem>>) target(%dma_start3A_60 : memref<128x768xf32, #tpu.memory_space<hbm>>) target_semaphore(%arg6 : memref<!tpu.dma_semaphore, #tpu.memory_space<semaphore_mem>>)
    %dma_start3A_61 = arith.constant 256 : i32
    %dma_start3A_62 = arith.constant 0 : i32
    %dma_start3A_63 = tpu.memref_slice %arg3[%add3A, %dma_start3A_61, %dma_start3A_62] : memref<32x2048x768xf32, #tpu.memory_space<hbm>> -> memref<1x128x768xf32, #tpu.memory_space<hbm>>
    %dma_start3A_64 = tpu.memref_squeeze %dma_start3A_63 : memref<1x128x768xf32, #tpu.memory_space<hbm>> -> memref<128x768xf32, #tpu.memory_space<hbm>>
    %dma_start3A_65 = arith.constant 256 : i32
    %dma_start3A_66 = arith.constant 0 : i32
    %dma_start3A_67 = tpu.memref_slice %arg3[%add3A, %dma_start3A_65, %dma_start3A_66] : memref<32x2048x768xf32, #tpu.memory_space<hbm>> -> memref<1x128x768xf32, #tpu.memory_space<hbm>>
    %dma_start3A_68 = tpu.memref_squeeze %dma_start3A_67 : memref<1x128x768xf32, #tpu.memory_space<hbm>> -> memref<128x768xf32, #tpu.memory_space<hbm>>
    tpu.enqueue_dma source(%arg5 : memref<128x768xf32, #tpu.memory_space<vmem>>) target(%dma_start3A_68 : memref<128x768xf32, #tpu.memory_space<hbm>>) target_semaphore(%arg6 : memref<!tpu.dma_semaphore, #tpu.memory_space<semaphore_mem>>)
    %dma_start3A_69 = arith.constant 384 : i32
    %dma_start3A_70 = arith.constant 0 : i32
    %dma_start3A_71 = tpu.memref_slice %arg3[%add3A, %dma_start3A_69, %dma_start3A_70] : memref<32x2048x768xf32, #tpu.memory_space<hbm>> -> memref<1x128x768xf32, #tpu.memory_space<hbm>>
    %dma_start3A_72 = tpu.memref_squeeze %dma_start3A_71 : memref<1x128x768xf32, #tpu.memory_space<hbm>> -> memref<128x768xf32, #tpu.memory_space<hbm>>
    %dma_start3A_73 = arith.constant 384 : i32
    %dma_start3A_74 = arith.constant 0 : i32
    %dma_start3A_75 = tpu.memref_slice %arg3[%add3A, %dma_start3A_73, %dma_start3A_74] : memref<32x2048x768xf32, #tpu.memory_space<hbm>> -> memref<1x128x768xf32, #tpu.memory_space<hbm>>
    %dma_start3A_76 = tpu.memref_squeeze %dma_start3A_75 : memref<1x128x768xf32, #tpu.memory_space<hbm>> -> memref<128x768xf32, #tpu.memory_space<hbm>>
    tpu.enqueue_dma source(%arg5 : memref<128x768xf32, #tpu.memory_space<vmem>>) target(%dma_start3A_76 : memref<128x768xf32, #tpu.memory_space<hbm>>) target_semaphore(%arg6 : memref<!tpu.dma_semaphore, #tpu.memory_space<semaphore_mem>>)
    %dma_start3A_77 = arith.constant 512 : i32
    %dma_start3A_78 = arith.constant 0 : i32
    %dma_start3A_79 = tpu.memref_slice %arg3[%add3A, %dma_start3A_77, %dma_start3A_78] : memref<32x2048x768xf32, #tpu.memory_space<hbm>> -> memref<1x128x768xf32, #tpu.memory_space<hbm>>
    %dma_start3A_80 = tpu.memref_squeeze %dma_start3A_79 : memref<1x128x768xf32, #tpu.memory_space<hbm>> -> memref<128x768xf32, #tpu.memory_space<hbm>>
    %dma_start3A_81 = arith.constant 512 : i32
    %dma_start3A_82 = arith.constant 0 : i32
    %dma_start3A_83 = tpu.memref_slice %arg3[%add3A, %dma_start3A_81, %dma_start3A_82] : memref<32x2048x768xf32, #tpu.memory_space<hbm>> -> memref<1x128x768xf32, #tpu.memory_space<hbm>>
    %dma_start3A_84 = tpu.memref_squeeze %dma_start3A_83 : memref<1x128x768xf32, #tpu.memory_space<hbm>> -> memref<128x768xf32, #tpu.memory_space<hbm>>
    tpu.enqueue_dma source(%arg5 : memref<128x768xf32, #tpu.memory_space<vmem>>) target(%dma_start3A_84 : memref<128x768xf32, #tpu.memory_space<hbm>>) target_semaphore(%arg6 : memref<!tpu.dma_semaphore, #tpu.memory_space<semaphore_mem>>)
    %dma_start3A_85 = arith.constant 640 : i32
    %dma_start3A_86 = arith.constant 0 : i32
    %dma_start3A_87 = tpu.memref_slice %arg3[%add3A, %dma_start3A_85, %dma_start3A_86] : memref<32x2048x768xf32, #tpu.memory_space<hbm>> -> memref<1x128x768xf32, #tpu.memory_space<hbm>>
    %dma_start3A_88 = tpu.memref_squeeze %dma_start3A_87 : memref<1x128x768xf32, #tpu.memory_space<hbm>> -> memref<128x768xf32, #tpu.memory_space<hbm>>
    %dma_start3A_89 = arith.constant 640 : i32
    %dma_start3A_90 = arith.constant 0 : i32
    %dma_start3A_91 = tpu.memref_slice %arg3[%add3A, %dma_start3A_89, %dma_start3A_90] : memref<32x2048x768xf32, #tpu.memory_space<hbm>> -> memref<1x128x768xf32, #tpu.memory_space<hbm>>
    %dma_start3A_92 = tpu.memref_squeeze %dma_start3A_91 : memref<1x128x768xf32, #tpu.memory_space<hbm>> -> memref<128x768xf32, #tpu.memory_space<hbm>>
    tpu.enqueue_dma source(%arg5 : memref<128x768xf32, #tpu.memory_space<vmem>>) target(%dma_start3A_92 : memref<128x768xf32, #tpu.memory_space<hbm>>) target_semaphore(%arg6 : memref<!tpu.dma_semaphore, #tpu.memory_space<semaphore_mem>>)
    %dma_wait3A_93 = arith.constant 0 : i32
    %dma_wait3A_94 = arith.constant 0 : i32
    %dma_wait3A_95 = tpu.memref_slice %arg3[%add3A, %dma_wait3A_93, %dma_wait3A_94] : memref<32x2048x768xf32, #tpu.memory_space<hbm>> -> memref<1x128x768xf32, #tpu.memory_space<hbm>>
    %dma_wait3A_96 = tpu.memref_squeeze %dma_wait3A_95 : memref<1x128x768xf32, #tpu.memory_space<hbm>> -> memref<128x768xf32, #tpu.memory_space<hbm>>
    %dma_wait3A_97 = arith.constant 0 : i32
    %dma_wait3A_98 = arith.constant 0 : i32
    %dma_wait3A_99 = tpu.memref_slice %arg3[%add3A, %dma_wait3A_97, %dma_wait3A_98] : memref<32x2048x768xf32, #tpu.memory_space<hbm>> -> memref<1x128x768xf32, #tpu.memory_space<hbm>>
    %dma_wait3A_100 = tpu.memref_squeeze %dma_wait3A_99 : memref<1x128x768xf32, #tpu.memory_space<hbm>> -> memref<128x768xf32, #tpu.memory_space<hbm>>
    tpu.wait_dma2 semaphore(%arg6 : memref<!tpu.dma_semaphore, #tpu.memory_space<semaphore_mem>>) src(%arg5 : memref<128x768xf32, #tpu.memory_space<vmem>>) dst(%dma_wait3A_100 : memref<128x768xf32, #tpu.memory_space<hbm>>)
    %dma_wait3A_101 = arith.constant 128 : i32
    %dma_wait3A_102 = arith.constant 0 : i32
    %dma_wait3A_103 = tpu.memref_slice %arg3[%add3A, %dma_wait3A_101, %dma_wait3A_102] : memref<32x2048x768xf32, #tpu.memory_space<hbm>> -> memref<1x128x768xf32, #tpu.memory_space<hbm>>
    %dma_wait3A_104 = tpu.memref_squeeze %dma_wait3A_103 : memref<1x128x768xf32, #tpu.memory_space<hbm>> -> memref<128x768xf32, #tpu.memory_space<hbm>>
    %dma_wait3A_105 = arith.constant 128 : i32
    %dma_wait3A_106 = arith.constant 0 : i32
    %dma_wait3A_107 = tpu.memref_slice %arg3[%add3A, %dma_wait3A_105, %dma_wait3A_106] : memref<32x2048x768xf32, #tpu.memory_space<hbm>> -> memref<1x128x768xf32, #tpu.memory_space<hbm>>
    %dma_wait3A_108 = tpu.memref_squeeze %dma_wait3A_107 : memref<1x128x768xf32, #tpu.memory_space<hbm>> -> memref<128x768xf32, #tpu.memory_space<hbm>>
    tpu.wait_dma2 semaphore(%arg6 : memref<!tpu.dma_semaphore, #tpu.memory_space<semaphore_mem>>) src(%arg5 : memref<128x768xf32, #tpu.memory_space<vmem>>) dst(%dma_wait3A_108 : memref<128x768xf32, #tpu.memory_space<hbm>>)
    %dma_wait3A_109 = arith.constant 256 : i32
    %dma_wait3A_110 = arith.constant 0 : i32
    %dma_wait3A_111 = tpu.memref_slice %arg3[%add3A, %dma_wait3A_109, %dma_wait3A_110] : memref<32x2048x768xf32, #tpu.memory_space<hbm>> -> memref<1x128x768xf32, #tpu.memory_space<hbm>>
    %dma_wait3A_112 = tpu.memref_squeeze %dma_wait3A_111 : memref<1x128x768xf32, #tpu.memory_space<hbm>> -> memref<128x768xf32, #tpu.memory_space<hbm>>
    %dma_wait3A_113 = arith.constant 256 : i32
    %dma_wait3A_114 = arith.constant 0 : i32
    %dma_wait3A_115 = tpu.memref_slice %arg3[%add3A, %dma_wait3A_113, %dma_wait3A_114] : memref<32x2048x768xf32, #tpu.memory_space<hbm>> -> memref<1x128x768xf32, #tpu.memory_space<hbm>>
    %dma_wait3A_116 = tpu.memref_squeeze %dma_wait3A_115 : memref<1x128x768xf32, #tpu.memory_space<hbm>> -> memref<128x768xf32, #tpu.memory_space<hbm>>
    tpu.wait_dma2 semaphore(%arg6 : memref<!tpu.dma_semaphore, #tpu.memory_space<semaphore_mem>>) src(%arg5 : memref<128x768xf32, #tpu.memory_space<vmem>>) dst(%dma_wait3A_116 : memref<128x768xf32, #tpu.memory_space<hbm>>)
    %dma_wait3A_117 = arith.constant 384 : i32
    %dma_wait3A_118 = arith.constant 0 : i32
    %dma_wait3A_119 = tpu.memref_slice %arg3[%add3A, %dma_wait3A_117, %dma_wait3A_118] : memref<32x2048x768xf32, #tpu.memory_space<hbm>> -> memref<1x128x768xf32, #tpu.memory_space<hbm>>
    %dma_wait3A_120 = tpu.memref_squeeze %dma_wait3A_119 : memref<1x128x768xf32, #tpu.memory_space<hbm>> -> memref<128x768xf32, #tpu.memory_space<hbm>>
    %dma_wait3A_121 = arith.constant 384 : i32
    %dma_wait3A_122 = arith.constant 0 : i32
    %dma_wait3A_123 = tpu.memref_slice %arg3[%add3A, %dma_wait3A_121, %dma_wait3A_122] : memref<32x2048x768xf32, #tpu.memory_space<hbm>> -> memref<1x128x768xf32, #tpu.memory_space<hbm>>
    %dma_wait3A_124 = tpu.memref_squeeze %dma_wait3A_123 : memref<1x128x768xf32, #tpu.memory_space<hbm>> -> memref<128x768xf32, #tpu.memory_space<hbm>>
    tpu.wait_dma2 semaphore(%arg6 : memref<!tpu.dma_semaphore, #tpu.memory_space<semaphore_mem>>) src(%arg5 : memref<128x768xf32, #tpu.memory_space<vmem>>) dst(%dma_wait3A_124 : memref<128x768xf32, #tpu.memory_space<hbm>>)
    %dma_wait3A_125 = arith.constant 512 : i32
    %dma_wait3A_126 = arith.constant 0 : i32
    %dma_wait3A_127 = tpu.memref_slice %arg3[%add3A, %dma_wait3A_125, %dma_wait3A_126] : memref<32x2048x768xf32, #tpu.memory_space<hbm>> -> memref<1x128x768xf32, #tpu.memory_space<hbm>>
    %dma_wait3A_128 = tpu.memref_squeeze %dma_wait3A_127 : memref<1x128x768xf32, #tpu.memory_space<hbm>> -> memref<128x768xf32, #tpu.memory_space<hbm>>
    %dma_wait3A_129 = arith.constant 512 : i32
    %dma_wait3A_130 = arith.constant 0 : i32
    %dma_wait3A_131 = tpu.memref_slice %arg3[%add3A, %dma_wait3A_129, %dma_wait3A_130] : memref<32x2048x768xf32, #tpu.memory_space<hbm>> -> memref<1x128x768xf32, #tpu.memory_space<hbm>>
    %dma_wait3A_132 = tpu.memref_squeeze %dma_wait3A_131 : memref<1x128x768xf32, #tpu.memory_space<hbm>> -> memref<128x768xf32, #tpu.memory_space<hbm>>
    tpu.wait_dma2 semaphore(%arg6 : memref<!tpu.dma_semaphore, #tpu.memory_space<semaphore_mem>>) src(%arg5 : memref<128x768xf32, #tpu.memory_space<vmem>>) dst(%dma_wait3A_132 : memref<128x768xf32, #tpu.memory_space<hbm>>)
    %dma_wait3A_133 = arith.constant 640 : i32
    %dma_wait3A_134 = arith.constant 0 : i32
    %dma_wait3A_135 = tpu.memref_slice %arg3[%add3A, %dma_wait3A_133, %dma_wait3A_134] : memref<32x2048x768xf32, #tpu.memory_space<hbm>> -> memref<1x128x768xf32, #tpu.memory_space<hbm>>
    %dma_wait3A_136 = tpu.memref_squeeze %dma_wait3A_135 : memref<1x128x768xf32, #tpu.memory_space<hbm>> -> memref<128x768xf32, #tpu.memory_space<hbm>>
    %dma_wait3A_137 = arith.constant 640 : i32
    %dma_wait3A_138 = arith.constant 0 : i32
    %dma_wait3A_139 = tpu.memref_slice %arg3[%add3A, %dma_wait3A_137, %dma_wait3A_138] : memref<32x2048x768xf32, #tpu.memory_space<hbm>> -> memref<1x128x768xf32, #tpu.memory_space<hbm>>
    %dma_wait3A_140 = tpu.memref_squeeze %dma_wait3A_139 : memref<1x128x768xf32, #tpu.memory_space<hbm>> -> memref<128x768xf32, #tpu.memory_space<hbm>>
    tpu.wait_dma2 semaphore(%arg6 : memref<!tpu.dma_semaphore, #tpu.memory_space<semaphore_mem>>) src(%arg5 : memref<128x768xf32, #tpu.memory_space<vmem>>) dst(%dma_wait3A_140 : memref<128x768xf32, #tpu.memory_space<hbm>>)
    return
  }
}

module attributes {stable_mosaic.version = 14 : i64} {
  func.func @_tc_body(%arg0: i32, %arg1: i32, %arg2: memref<1x256x8xf32, #tpu.memory_space<vmem>>, %arg3: memref<1x256x4xf32, #tpu.memory_space<vmem>>, %arg4: memref<256x768xf32, #tpu.memory_space<vmem>>, %arg5: memref<4x24xf32, #tpu.memory_space<vmem>>, %arg6: memref<1x24xf32, #tpu.memory_space<vmem>>, %arg7: memref<24x768xf32, #tpu.memory_space<vmem>>, %arg8: memref<1x768xf32, #tpu.memory_space<vmem>>, %arg9: memref<1x768xf32, #tpu.memory_space<vmem>>, %arg10: memref<1x768xf32, #tpu.memory_space<vmem>>, %arg11: memref<1x8x256x768xf32, #tpu.memory_space<vmem>>) attributes {dimension_semantics = [#tpu.dimension_semantics<parallel>, #tpu.dimension_semantics<parallel>], iteration_bounds = array<i64: 4, 8>, scalar_prefetch = 0 : i64, scratch_operands = 0 : i64, tpu.core_type = #tpu.core_type<tc>, window_params = [{transform_indices = @transform_0, window_bounds = array<i64: 1, 256, 8>}, {transform_indices = @transform_1, window_bounds = array<i64: 1, 256, 4>}, {transform_indices = @transform_2, window_bounds = array<i64: 256, 768>}, {pipeline_mode = #tpu.pipeline_mode<synchronous>, transform_indices = @transform_3, window_bounds = array<i64: 4, 24>}, {pipeline_mode = #tpu.pipeline_mode<synchronous>, transform_indices = @transform_4, window_bounds = array<i64: 1, 24>}, {pipeline_mode = #tpu.pipeline_mode<synchronous>, transform_indices = @transform_5, window_bounds = array<i64: 24, 768>}, {pipeline_mode = #tpu.pipeline_mode<synchronous>, transform_indices = @transform_6, window_bounds = array<i64: 1, 768>}, {pipeline_mode = #tpu.pipeline_mode<synchronous>, transform_indices = @transform_7, window_bounds = array<i64: 1, 768>}, {pipeline_mode = #tpu.pipeline_mode<synchronous>, transform_indices = @transform_8, window_bounds = array<i64: 1, 768>}, {transform_indices = @transform_9, window_bounds = array<i64: 1, 8, 256, 768>}]} {
    %get3A = arith.constant 0 : index
    %get3A_0 = arith.constant 0 : index
    %get3A_1 = arith.constant 0 : index
    %get3A_2 = vector.load %arg3[%get3A, %get3A_0, %get3A_1] : memref<1x256x4xf32, #tpu.memory_space<vmem>>, vector<1x256x4xf32>
    %get3A_3 = vector.shape_cast %get3A_2 : vector<1x256x4xf32> to vector<256x4xf32>
    %ne3A = arith.cmpf one, %get3A_3, %get3A_3 : vector<256x4xf32>
    %jit3A = arith.constant 0.000000e+00 : f32
    %broadcast_in_dim3A = vector.broadcast %jit3A : f32 to vector<256x4xf32>
    %select_n3A = arith.select %ne3A, %broadcast_in_dim3A, %get3A_3 : vector<256x4xi1>, vector<256x4xf32>
    %get3A_4 = arith.constant 0 : index
    %get3A_5 = arith.constant 0 : index
    %get3A_6 = vector.load %arg5[%get3A_4, %get3A_5] : memref<4x24xf32, #tpu.memory_space<vmem>>, vector<4x24xf32>
    %dot_general3A = arith.constant dense<0.000000e+00> : vector<256x24xf32>
    %dot_general3A_7 = tpu.matmul %select_n3A, %get3A_6, %dot_general3A {dimension_numbers = #tpu.dot_dimension_numbers<[1], [0], [0], [1], [0, 0, 1, 1], [], []>, transpose_lhs_hint = false} : vector<256x4xf32>, vector<4x24xf32>, vector<256x24xf32> -> vector<256x24xf32>
    %get3A_8 = arith.constant 0 : index
    %get3A_9 = arith.constant 0 : index
    %get3A_10 = vector.load %arg6[%get3A_8, %get3A_9] : memref<1x24xf32, #tpu.memory_space<vmem>>, vector<1x24xf32>
    %add3A = vector.broadcast %get3A_10 : vector<1x24xf32> to vector<256x24xf32>
    %add3A_11 = arith.addf %dot_general3A_7, %add3A : vector<256x24xf32>
    %iota3A = tpu.iota {dimensions = array<i32: 1>} : vector<256x24xi32>
    %jit3A_12 = arith.constant 6 : i32
    %eq3A = arith.constant 0 : i32
    %eq3A_13 = arith.cmpi eq, %jit3A_12, %eq3A : i32
    %jit3A_14 = arith.constant 1 : i32
    %select_n3A_15 = arith.select %eq3A_13, %jit3A_14, %jit3A_12 : i32
    %rem3A = vector.broadcast %select_n3A_15 : i32 to vector<256x24xi32>
    %rem3A_16 = arith.remsi %iota3A, %rem3A : vector<256x24xi32>
    %ne3A_17 = arith.constant 0 : i32
    %ne3A_18 = vector.broadcast %ne3A_17 : i32 to vector<256x24xi32>
    %ne3A_19 = arith.cmpi ne, %rem3A_16, %ne3A_18 : vector<256x24xi32>
    %lt3A = arith.constant 0 : i32
    %lt3A_20 = vector.broadcast %lt3A : i32 to vector<256x24xi32>
    %lt3A_21 = arith.cmpi slt, %rem3A_16, %lt3A_20 : vector<256x24xi32>
    %lt3A_22 = arith.constant 0 : i32
    %lt3A_23 = arith.cmpi slt, %select_n3A_15, %lt3A_22 : i32
    %ne3A_24 = vector.broadcast %lt3A_23 : i1 to vector<256x24xi1>
    %ne3A_25 = vector.broadcast %ne3A_24 : vector<256x24xi1> to vector<256x24xi1>
    %ne3A_26 = arith.xori %lt3A_21, %ne3A_25 : vector<256x24xi1>
    %and3A = arith.andi %ne3A_26, %ne3A_19 : vector<256x24xi1>
    %add3A_27 = vector.broadcast %select_n3A_15 : i32 to vector<256x24xi32>
    %add3A_28 = arith.addi %rem3A_16, %add3A_27 : vector<256x24xi32>
    %select_n3A_29 = arith.select %and3A, %add3A_28, %rem3A_16 : vector<256x24xi1>, vector<256x24xi32>
    %eq3A_30 = arith.constant 0 : i32
    %eq3A_31 = vector.broadcast %eq3A_30 : i32 to vector<256x24xi32>
    %eq3A_32 = arith.cmpi eq, %select_n3A_29, %eq3A_31 : vector<256x24xi32>
    %sin3A = math.sin %add3A_11 : vector<256x24xf32>
    %select_n3A_33 = arith.select %eq3A_32, %add3A_11, %sin3A : vector<256x24xi1>, vector<256x24xf32>
    %get3A_34 = arith.constant 0 : index
    %get3A_35 = arith.constant 0 : index
    %get3A_36 = vector.load %arg7[%get3A_34, %get3A_35] : memref<24x768xf32, #tpu.memory_space<vmem>>, vector<24x768xf32>
    %dot_general3A_37 = arith.constant dense<0.000000e+00> : vector<256x768xf32>
    %dot_general3A_38 = tpu.matmul %select_n3A_33, %get3A_36, %dot_general3A_37 {dimension_numbers = #tpu.dot_dimension_numbers<[1], [0], [0], [1], [0, 0, 1, 1], [], []>, transpose_lhs_hint = false} : vector<256x24xf32>, vector<24x768xf32>, vector<256x768xf32> -> vector<256x768xf32>
    %get3A_39 = arith.constant 0 : index
    %get3A_40 = arith.constant 0 : index
    %get3A_41 = vector.load %arg4[%get3A_39, %get3A_40] : memref<256x768xf32, #tpu.memory_space<vmem>>, vector<256x768xf32>
    %add3A_42 = arith.addf %get3A_41, %dot_general3A_38 : vector<256x768xf32>
    %get3A_43 = arith.constant 0 : index
    %get3A_44 = arith.constant 0 : index
    %get3A_45 = vector.load %arg9[%get3A_43, %get3A_44] : memref<1x768xf32, #tpu.memory_space<vmem>>, vector<1x768xf32>
    %add3A_46 = vector.broadcast %get3A_45 : vector<1x768xf32> to vector<256x768xf32>
    %add3A_47 = arith.addf %add3A_42, %add3A_46 : vector<256x768xf32>
    %get3A_48 = arith.constant 0 : index
    %get3A_49 = arith.constant 0 : index
    %get3A_50 = arith.constant 0 : index
    %get3A_51 = vector.load %arg2[%get3A_48, %get3A_49, %get3A_50] : memref<1x256x8xf32, #tpu.memory_space<vmem>>, vector<1x256x8xf32>
    %get3A_52 = vector.shape_cast %get3A_51 : vector<1x256x8xf32> to vector<256x8xf32>
    %ne3A_53 = arith.cmpf one, %get3A_52, %get3A_52 : vector<256x8xf32>
    %jit3A_54 = arith.constant 0.000000e+00 : f32
    %broadcast_in_dim3A_55 = vector.broadcast %jit3A_54 : f32 to vector<256x8xf32>
    %select_n3A_56 = arith.select %ne3A_53, %broadcast_in_dim3A_55, %get3A_52 : vector<256x8xi1>, vector<256x8xf32>
    %convert_element_type3A = arith.extui %ne3A_53 : vector<256x8xi1> to vector<256x8xi32>
    %convert_element_type3A_57 = arith.sitofp %convert_element_type3A : vector<256x8xi32> to vector<256x8xf32>
    %get3A_58 = arith.constant 0 : index
    %get3A_59 = arith.constant 0 : index
    %get3A_60 = vector.load %arg8[%get3A_58, %get3A_59] : memref<1x768xf32, #tpu.memory_space<vmem>>, vector<1x768xf32>
    %get3A_61 = arith.constant 0 : index
    %get3A_62 = arith.constant 0 : index
    %get3A_63 = vector.load %arg10[%get3A_61, %get3A_62] : memref<1x768xf32, #tpu.memory_space<vmem>>, vector<1x768xf32>
    %slice3A = vector.extract_strided_slice %select_n3A_56 {offsets = [0, 0], sizes = [256, 1], strides = [1, 1]} : vector<256x8xf32> to vector<256x1xf32>
    %mul3A = vector.broadcast %slice3A : vector<256x1xf32> to vector<256x768xf32>
    %mul3A_64 = vector.broadcast %get3A_60 : vector<1x768xf32> to vector<256x768xf32>
    %mul3A_65 = arith.mulf %mul3A, %mul3A_64 : vector<256x768xf32>
    %add3A_66 = arith.addf %add3A_47, %mul3A_65 : vector<256x768xf32>
    %slice3A_67 = vector.extract_strided_slice %convert_element_type3A_57 {offsets = [0, 0], sizes = [256, 1], strides = [1, 1]} : vector<256x8xf32> to vector<256x1xf32>
    %mul3A_68 = vector.broadcast %slice3A_67 : vector<256x1xf32> to vector<256x768xf32>
    %mul3A_69 = vector.broadcast %get3A_63 : vector<1x768xf32> to vector<256x768xf32>
    %mul3A_70 = arith.mulf %mul3A_68, %mul3A_69 : vector<256x768xf32>
    %add3A_71 = arith.addf %add3A_66, %mul3A_70 : vector<256x768xf32>
    %swap3A = arith.constant 0 : index
    %swap3A_72 = arith.constant 0 : index
    %swap3A_73 = arith.constant 0 : index
    %swap3A_74 = arith.constant 0 : index
    %swap3A_75 = vector.load %arg11[%swap3A, %swap3A_72, %swap3A_73, %swap3A_74] : memref<1x8x256x768xf32, #tpu.memory_space<vmem>>, vector<1x1x256x768xf32>
    %swap3A_76 = vector.shape_cast %swap3A_75 : vector<1x1x256x768xf32> to vector<256x768xf32>
    %swap3A_77 = vector.shape_cast %add3A_71 : vector<256x768xf32> to vector<1x1x256x768xf32>
    tpu.vector_store %arg11[%swap3A, %swap3A_72, %swap3A_73, %swap3A_74], %swap3A_77 {strides = array<i32>} : memref<1x8x256x768xf32, #tpu.memory_space<vmem>>, vector<1x1x256x768xf32>,
    %slice3A_78 = vector.extract_strided_slice %select_n3A_56 {offsets = [0, 1], sizes = [256, 1], strides = [1, 1]} : vector<256x8xf32> to vector<256x1xf32>
    %mul3A_79 = vector.broadcast %slice3A_78 : vector<256x1xf32> to vector<256x768xf32>
    %mul3A_80 = vector.broadcast %get3A_60 : vector<1x768xf32> to vector<256x768xf32>
    %mul3A_81 = arith.mulf %mul3A_79, %mul3A_80 : vector<256x768xf32>
    %add3A_82 = arith.addf %add3A_47, %mul3A_81 : vector<256x768xf32>
    %slice3A_83 = vector.extract_strided_slice %convert_element_type3A_57 {offsets = [0, 1], sizes = [256, 1], strides = [1, 1]} : vector<256x8xf32> to vector<256x1xf32>
    %mul3A_84 = vector.broadcast %slice3A_83 : vector<256x1xf32> to vector<256x768xf32>
    %mul3A_85 = vector.broadcast %get3A_63 : vector<1x768xf32> to vector<256x768xf32>
    %mul3A_86 = arith.mulf %mul3A_84, %mul3A_85 : vector<256x768xf32>
    %add3A_87 = arith.addf %add3A_82, %mul3A_86 : vector<256x768xf32>
    %swap3A_88 = arith.constant 0 : index
    %swap3A_89 = arith.constant 1 : index
    %swap3A_90 = arith.constant 0 : index
    %swap3A_91 = arith.constant 0 : index
    %swap3A_92 = vector.load %arg11[%swap3A_88, %swap3A_89, %swap3A_90, %swap3A_91] : memref<1x8x256x768xf32, #tpu.memory_space<vmem>>, vector<1x1x256x768xf32>
    %swap3A_93 = vector.shape_cast %swap3A_92 : vector<1x1x256x768xf32> to vector<256x768xf32>
    %swap3A_94 = vector.shape_cast %add3A_87 : vector<256x768xf32> to vector<1x1x256x768xf32>
    tpu.vector_store %arg11[%swap3A_88, %swap3A_89, %swap3A_90, %swap3A_91], %swap3A_94 {strides = array<i32>} : memref<1x8x256x768xf32, #tpu.memory_space<vmem>>, vector<1x1x256x768xf32>,
    %slice3A_95 = vector.extract_strided_slice %select_n3A_56 {offsets = [0, 2], sizes = [256, 1], strides = [1, 1]} : vector<256x8xf32> to vector<256x1xf32>
    %mul3A_96 = vector.broadcast %slice3A_95 : vector<256x1xf32> to vector<256x768xf32>
    %mul3A_97 = vector.broadcast %get3A_60 : vector<1x768xf32> to vector<256x768xf32>
    %mul3A_98 = arith.mulf %mul3A_96, %mul3A_97 : vector<256x768xf32>
    %add3A_99 = arith.addf %add3A_47, %mul3A_98 : vector<256x768xf32>
    %slice3A_100 = vector.extract_strided_slice %convert_element_type3A_57 {offsets = [0, 2], sizes = [256, 1], strides = [1, 1]} : vector<256x8xf32> to vector<256x1xf32>
    %mul3A_101 = vector.broadcast %slice3A_100 : vector<256x1xf32> to vector<256x768xf32>
    %mul3A_102 = vector.broadcast %get3A_63 : vector<1x768xf32> to vector<256x768xf32>
    %mul3A_103 = arith.mulf %mul3A_101, %mul3A_102 : vector<256x768xf32>
    %add3A_104 = arith.addf %add3A_99, %mul3A_103 : vector<256x768xf32>
    %swap3A_105 = arith.constant 0 : index
    %swap3A_106 = arith.constant 2 : index
    %swap3A_107 = arith.constant 0 : index
    %swap3A_108 = arith.constant 0 : index
    %swap3A_109 = vector.load %arg11[%swap3A_105, %swap3A_106, %swap3A_107, %swap3A_108] : memref<1x8x256x768xf32, #tpu.memory_space<vmem>>, vector<1x1x256x768xf32>
    %swap3A_110 = vector.shape_cast %swap3A_109 : vector<1x1x256x768xf32> to vector<256x768xf32>
    %swap3A_111 = vector.shape_cast %add3A_104 : vector<256x768xf32> to vector<1x1x256x768xf32>
    tpu.vector_store %arg11[%swap3A_105, %swap3A_106, %swap3A_107, %swap3A_108], %swap3A_111 {strides = array<i32>} : memref<1x8x256x768xf32, #tpu.memory_space<vmem>>, vector<1x1x256x768xf32>,
    %slice3A_112 = vector.extract_strided_slice %select_n3A_56 {offsets = [0, 3], sizes = [256, 1], strides = [1, 1]} : vector<256x8xf32> to vector<256x1xf32>
    %mul3A_113 = vector.broadcast %slice3A_112 : vector<256x1xf32> to vector<256x768xf32>
    %mul3A_114 = vector.broadcast %get3A_60 : vector<1x768xf32> to vector<256x768xf32>
    %mul3A_115 = arith.mulf %mul3A_113, %mul3A_114 : vector<256x768xf32>
    %add3A_116 = arith.addf %add3A_47, %mul3A_115 : vector<256x768xf32>
    %slice3A_117 = vector.extract_strided_slice %convert_element_type3A_57 {offsets = [0, 3], sizes = [256, 1], strides = [1, 1]} : vector<256x8xf32> to vector<256x1xf32>
    %mul3A_118 = vector.broadcast %slice3A_117 : vector<256x1xf32> to vector<256x768xf32>
    %mul3A_119 = vector.broadcast %get3A_63 : vector<1x768xf32> to vector<256x768xf32>
    %mul3A_120 = arith.mulf %mul3A_118, %mul3A_119 : vector<256x768xf32>
    %add3A_121 = arith.addf %add3A_116, %mul3A_120 : vector<256x768xf32>
    %swap3A_122 = arith.constant 0 : index
    %swap3A_123 = arith.constant 3 : index
    %swap3A_124 = arith.constant 0 : index
    %swap3A_125 = arith.constant 0 : index
    %swap3A_126 = vector.load %arg11[%swap3A_122, %swap3A_123, %swap3A_124, %swap3A_125] : memref<1x8x256x768xf32, #tpu.memory_space<vmem>>, vector<1x1x256x768xf32>
    %swap3A_127 = vector.shape_cast %swap3A_126 : vector<1x1x256x768xf32> to vector<256x768xf32>
    %swap3A_128 = vector.shape_cast %add3A_121 : vector<256x768xf32> to vector<1x1x256x768xf32>
    tpu.vector_store %arg11[%swap3A_122, %swap3A_123, %swap3A_124, %swap3A_125], %swap3A_128 {strides = array<i32>} : memref<1x8x256x768xf32, #tpu.memory_space<vmem>>, vector<1x1x256x768xf32>,
    %slice3A_129 = vector.extract_strided_slice %select_n3A_56 {offsets = [0, 4], sizes = [256, 1], strides = [1, 1]} : vector<256x8xf32> to vector<256x1xf32>
    %mul3A_130 = vector.broadcast %slice3A_129 : vector<256x1xf32> to vector<256x768xf32>
    %mul3A_131 = vector.broadcast %get3A_60 : vector<1x768xf32> to vector<256x768xf32>
    %mul3A_132 = arith.mulf %mul3A_130, %mul3A_131 : vector<256x768xf32>
    %add3A_133 = arith.addf %add3A_47, %mul3A_132 : vector<256x768xf32>
    %slice3A_134 = vector.extract_strided_slice %convert_element_type3A_57 {offsets = [0, 4], sizes = [256, 1], strides = [1, 1]} : vector<256x8xf32> to vector<256x1xf32>
    %mul3A_135 = vector.broadcast %slice3A_134 : vector<256x1xf32> to vector<256x768xf32>
    %mul3A_136 = vector.broadcast %get3A_63 : vector<1x768xf32> to vector<256x768xf32>
    %mul3A_137 = arith.mulf %mul3A_135, %mul3A_136 : vector<256x768xf32>
    %add3A_138 = arith.addf %add3A_133, %mul3A_137 : vector<256x768xf32>
    %swap3A_139 = arith.constant 0 : index
    %swap3A_140 = arith.constant 4 : index
    %swap3A_141 = arith.constant 0 : index
    %swap3A_142 = arith.constant 0 : index
    %swap3A_143 = vector.load %arg11[%swap3A_139, %swap3A_140, %swap3A_141, %swap3A_142] : memref<1x8x256x768xf32, #tpu.memory_space<vmem>>, vector<1x1x256x768xf32>
    %swap3A_144 = vector.shape_cast %swap3A_143 : vector<1x1x256x768xf32> to vector<256x768xf32>
    %swap3A_145 = vector.shape_cast %add3A_138 : vector<256x768xf32> to vector<1x1x256x768xf32>
    tpu.vector_store %arg11[%swap3A_139, %swap3A_140, %swap3A_141, %swap3A_142], %swap3A_145 {strides = array<i32>} : memref<1x8x256x768xf32, #tpu.memory_space<vmem>>, vector<1x1x256x768xf32>,
    %slice3A_146 = vector.extract_strided_slice %select_n3A_56 {offsets = [0, 5], sizes = [256, 1], strides = [1, 1]} : vector<256x8xf32> to vector<256x1xf32>
    %mul3A_147 = vector.broadcast %slice3A_146 : vector<256x1xf32> to vector<256x768xf32>
    %mul3A_148 = vector.broadcast %get3A_60 : vector<1x768xf32> to vector<256x768xf32>
    %mul3A_149 = arith.mulf %mul3A_147, %mul3A_148 : vector<256x768xf32>
    %add3A_150 = arith.addf %add3A_47, %mul3A_149 : vector<256x768xf32>
    %slice3A_151 = vector.extract_strided_slice %convert_element_type3A_57 {offsets = [0, 5], sizes = [256, 1], strides = [1, 1]} : vector<256x8xf32> to vector<256x1xf32>
    %mul3A_152 = vector.broadcast %slice3A_151 : vector<256x1xf32> to vector<256x768xf32>
    %mul3A_153 = vector.broadcast %get3A_63 : vector<1x768xf32> to vector<256x768xf32>
    %mul3A_154 = arith.mulf %mul3A_152, %mul3A_153 : vector<256x768xf32>
    %add3A_155 = arith.addf %add3A_150, %mul3A_154 : vector<256x768xf32>
    %swap3A_156 = arith.constant 0 : index
    %swap3A_157 = arith.constant 5 : index
    %swap3A_158 = arith.constant 0 : index
    %swap3A_159 = arith.constant 0 : index
    %swap3A_160 = vector.load %arg11[%swap3A_156, %swap3A_157, %swap3A_158, %swap3A_159] : memref<1x8x256x768xf32, #tpu.memory_space<vmem>>, vector<1x1x256x768xf32>
    %swap3A_161 = vector.shape_cast %swap3A_160 : vector<1x1x256x768xf32> to vector<256x768xf32>
    %swap3A_162 = vector.shape_cast %add3A_155 : vector<256x768xf32> to vector<1x1x256x768xf32>
    tpu.vector_store %arg11[%swap3A_156, %swap3A_157, %swap3A_158, %swap3A_159], %swap3A_162 {strides = array<i32>} : memref<1x8x256x768xf32, #tpu.memory_space<vmem>>, vector<1x1x256x768xf32>,
    %slice3A_163 = vector.extract_strided_slice %select_n3A_56 {offsets = [0, 6], sizes = [256, 1], strides = [1, 1]} : vector<256x8xf32> to vector<256x1xf32>
    %mul3A_164 = vector.broadcast %slice3A_163 : vector<256x1xf32> to vector<256x768xf32>
    %mul3A_165 = vector.broadcast %get3A_60 : vector<1x768xf32> to vector<256x768xf32>
    %mul3A_166 = arith.mulf %mul3A_164, %mul3A_165 : vector<256x768xf32>
    %add3A_167 = arith.addf %add3A_47, %mul3A_166 : vector<256x768xf32>
    %slice3A_168 = vector.extract_strided_slice %convert_element_type3A_57 {offsets = [0, 6], sizes = [256, 1], strides = [1, 1]} : vector<256x8xf32> to vector<256x1xf32>
    %mul3A_169 = vector.broadcast %slice3A_168 : vector<256x1xf32> to vector<256x768xf32>
    %mul3A_170 = vector.broadcast %get3A_63 : vector<1x768xf32> to vector<256x768xf32>
    %mul3A_171 = arith.mulf %mul3A_169, %mul3A_170 : vector<256x768xf32>
    %add3A_172 = arith.addf %add3A_167, %mul3A_171 : vector<256x768xf32>
    %swap3A_173 = arith.constant 0 : index
    %swap3A_174 = arith.constant 6 : index
    %swap3A_175 = arith.constant 0 : index
    %swap3A_176 = arith.constant 0 : index
    %swap3A_177 = vector.load %arg11[%swap3A_173, %swap3A_174, %swap3A_175, %swap3A_176] : memref<1x8x256x768xf32, #tpu.memory_space<vmem>>, vector<1x1x256x768xf32>
    %swap3A_178 = vector.shape_cast %swap3A_177 : vector<1x1x256x768xf32> to vector<256x768xf32>
    %swap3A_179 = vector.shape_cast %add3A_172 : vector<256x768xf32> to vector<1x1x256x768xf32>
    tpu.vector_store %arg11[%swap3A_173, %swap3A_174, %swap3A_175, %swap3A_176], %swap3A_179 {strides = array<i32>} : memref<1x8x256x768xf32, #tpu.memory_space<vmem>>, vector<1x1x256x768xf32>,
    %slice3A_180 = vector.extract_strided_slice %select_n3A_56 {offsets = [0, 7], sizes = [256, 1], strides = [1, 1]} : vector<256x8xf32> to vector<256x1xf32>
    %mul3A_181 = vector.broadcast %slice3A_180 : vector<256x1xf32> to vector<256x768xf32>
    %mul3A_182 = vector.broadcast %get3A_60 : vector<1x768xf32> to vector<256x768xf32>
    %mul3A_183 = arith.mulf %mul3A_181, %mul3A_182 : vector<256x768xf32>
    %add3A_184 = arith.addf %add3A_47, %mul3A_183 : vector<256x768xf32>
    %slice3A_185 = vector.extract_strided_slice %convert_element_type3A_57 {offsets = [0, 7], sizes = [256, 1], strides = [1, 1]} : vector<256x8xf32> to vector<256x1xf32>
    %mul3A_186 = vector.broadcast %slice3A_185 : vector<256x1xf32> to vector<256x768xf32>
    %mul3A_187 = vector.broadcast %get3A_63 : vector<1x768xf32> to vector<256x768xf32>
    %mul3A_188 = arith.mulf %mul3A_186, %mul3A_187 : vector<256x768xf32>
    %add3A_189 = arith.addf %add3A_184, %mul3A_188 : vector<256x768xf32>
    %swap3A_190 = arith.constant 0 : index
    %swap3A_191 = arith.constant 7 : index
    %swap3A_192 = arith.constant 0 : index
    %swap3A_193 = arith.constant 0 : index
    %swap3A_194 = vector.load %arg11[%swap3A_190, %swap3A_191, %swap3A_192, %swap3A_193] : memref<1x8x256x768xf32, #tpu.memory_space<vmem>>, vector<1x1x256x768xf32>
    %swap3A_195 = vector.shape_cast %swap3A_194 : vector<1x1x256x768xf32> to vector<256x768xf32>
    %swap3A_196 = vector.shape_cast %add3A_189 : vector<256x768xf32> to vector<1x1x256x768xf32>
    tpu.vector_store %arg11[%swap3A_190, %swap3A_191, %swap3A_192, %swap3A_193], %swap3A_196 {strides = array<i32>} : memref<1x8x256x768xf32, #tpu.memory_space<vmem>>, vector<1x1x256x768xf32>,
    return
  }
  func.func @transform_0(%arg0: i32, %arg1: i32) -> (i32, i32, i32) {
    %c0_i32 = arith.constant 0 : i32
    %c0_i32_0 = arith.constant 0 : i32
    return %arg0, %arg1, %c0_i32 : i32, i32, i32
  }
  func.func @transform_1(%arg0: i32, %arg1: i32) -> (i32, i32, i32) {
    %c0_i32 = arith.constant 0 : i32
    %c0_i32_0 = arith.constant 0 : i32
    return %arg0, %arg1, %c0_i32 : i32, i32, i32
  }
  func.func @transform_2(%arg0: i32, %arg1: i32) -> (i32, i32) {
    %c0_i32 = arith.constant 0 : i32
    %c0_i32_0 = arith.constant 0 : i32
    return %arg1, %c0_i32 : i32, i32
  }
  func.func @transform_3(%arg0: i32, %arg1: i32) -> (i32, i32) {
    %c0_i32 = arith.constant 0 : i32
    %c0_i32_0 = arith.constant 0 : i32
    %c0_i32_1 = arith.constant 0 : i32
    return %c0_i32, %c0_i32_0 : i32, i32
  }
  func.func @transform_4(%arg0: i32, %arg1: i32) -> (i32, i32) {
    %c0_i32 = arith.constant 0 : i32
    %c0_i32_0 = arith.constant 0 : i32
    %c0_i32_1 = arith.constant 0 : i32
    return %c0_i32, %c0_i32_0 : i32, i32
  }
  func.func @transform_5(%arg0: i32, %arg1: i32) -> (i32, i32) {
    %c0_i32 = arith.constant 0 : i32
    %c0_i32_0 = arith.constant 0 : i32
    %c0_i32_1 = arith.constant 0 : i32
    return %c0_i32, %c0_i32_0 : i32, i32
  }
  func.func @transform_6(%arg0: i32, %arg1: i32) -> (i32, i32) {
    %c0_i32 = arith.constant 0 : i32
    %c0_i32_0 = arith.constant 0 : i32
    %c0_i32_1 = arith.constant 0 : i32
    return %c0_i32, %c0_i32_0 : i32, i32
  }
  func.func @transform_7(%arg0: i32, %arg1: i32) -> (i32, i32) {
    %c0_i32 = arith.constant 0 : i32
    %c0_i32_0 = arith.constant 0 : i32
    %c0_i32_1 = arith.constant 0 : i32
    return %c0_i32, %c0_i32_0 : i32, i32
  }
  func.func @transform_8(%arg0: i32, %arg1: i32) -> (i32, i32) {
    %c0_i32 = arith.constant 0 : i32
    %c0_i32_0 = arith.constant 0 : i32
    %c0_i32_1 = arith.constant 0 : i32
    return %c0_i32, %c0_i32_0 : i32, i32
  }
  func.func @transform_9(%arg0: i32, %arg1: i32) -> (i32, i32, i32, i32) {
    %c0_i32 = arith.constant 0 : i32
    %c0_i32_0 = arith.constant 0 : i32
    %c0_i32_1 = arith.constant 0 : i32
    return %arg0, %c0_i32, %arg1, %c0_i32_0 : i32, i32, i32, i32
  }
}

module attributes {stable_mosaic.version = 14 : i64} {
  func.func @body(%arg0: i32, %arg1: i32, %arg2: memref<8x768xf32, #tpu.memory_space<vmem>>, %arg3: memref<4x8x2048x768xf32, #tpu.memory_space<hbm>>, %arg4: memref<1x8x256x768xf32, #tpu.memory_space<vmem>>) attributes {dimension_semantics = [#tpu.dimension_semantics<parallel>, #tpu.dimension_semantics<parallel>], iteration_bounds = array<i64: 4, 5>, scalar_prefetch = 0 : i64, scratch_operands = 0 : i64, tpu.core_type = #tpu.core_type<tc>, window_params = [{pipeline_mode = #tpu.pipeline_mode<synchronous>, transform_indices = @transform_0, window_bounds = array<i64: 8, 768>}, {}, {transform_indices = @transform_2, window_bounds = array<i64: 1, 8, 256, 768>}]} {
    %get3A = arith.constant 0 : index
    %get3A_0 = arith.constant 0 : index
    %get3A_1 = vector.load %arg2[%get3A, %get3A_0] : memref<8x768xf32, #tpu.memory_space<vmem>>, vector<1x768xf32>
    %broadcast_in_dim3A = vector.shape_cast %get3A_1 : vector<1x768xf32> to vector<1x768xf32>
    %broadcast_in_dim3A_2 = vector.broadcast %broadcast_in_dim3A : vector<1x768xf32> to vector<256x768xf32>
    %swap3A = arith.constant 0 : index
    %swap3A_3 = arith.constant 0 : index
    %swap3A_4 = arith.constant 0 : index
    %swap3A_5 = arith.constant 0 : index
    %swap3A_6 = vector.load %arg4[%swap3A, %swap3A_3, %swap3A_4, %swap3A_5] : memref<1x8x256x768xf32, #tpu.memory_space<vmem>>, vector<1x1x256x768xf32>
    %swap3A_7 = vector.shape_cast %swap3A_6 : vector<1x1x256x768xf32> to vector<256x768xf32>
    %swap3A_8 = vector.shape_cast %broadcast_in_dim3A_2 : vector<256x768xf32> to vector<1x1x256x768xf32>
    tpu.vector_store %arg4[%swap3A, %swap3A_3, %swap3A_4, %swap3A_5], %swap3A_8 {strides = array<i32>} : memref<1x8x256x768xf32, #tpu.memory_space<vmem>>, vector<1x1x256x768xf32>,
    %get3A_9 = arith.constant 1 : index
    %get3A_10 = arith.constant 0 : index
    %get3A_11 = vector.load %arg2[%get3A_9, %get3A_10] : memref<8x768xf32, #tpu.memory_space<vmem>>, vector<1x768xf32>
    %broadcast_in_dim3A_12 = vector.shape_cast %get3A_11 : vector<1x768xf32> to vector<1x768xf32>
    %broadcast_in_dim3A_13 = vector.broadcast %broadcast_in_dim3A_12 : vector<1x768xf32> to vector<256x768xf32>
    %swap3A_14 = arith.constant 0 : index
    %swap3A_15 = arith.constant 1 : index
    %swap3A_16 = arith.constant 0 : index
    %swap3A_17 = arith.constant 0 : index
    %swap3A_18 = vector.load %arg4[%swap3A_14, %swap3A_15, %swap3A_16, %swap3A_17] : memref<1x8x256x768xf32, #tpu.memory_space<vmem>>, vector<1x1x256x768xf32>
    %swap3A_19 = vector.shape_cast %swap3A_18 : vector<1x1x256x768xf32> to vector<256x768xf32>
    %swap3A_20 = vector.shape_cast %broadcast_in_dim3A_13 : vector<256x768xf32> to vector<1x1x256x768xf32>
    tpu.vector_store %arg4[%swap3A_14, %swap3A_15, %swap3A_16, %swap3A_17], %swap3A_20 {strides = array<i32>} : memref<1x8x256x768xf32, #tpu.memory_space<vmem>>, vector<1x1x256x768xf32>,
    %get3A_21 = arith.constant 2 : index
    %get3A_22 = arith.constant 0 : index
    %get3A_23 = vector.load %arg2[%get3A_21, %get3A_22] : memref<8x768xf32, #tpu.memory_space<vmem>>, vector<1x768xf32>
    %broadcast_in_dim3A_24 = vector.shape_cast %get3A_23 : vector<1x768xf32> to vector<1x768xf32>
    %broadcast_in_dim3A_25 = vector.broadcast %broadcast_in_dim3A_24 : vector<1x768xf32> to vector<256x768xf32>
    %swap3A_26 = arith.constant 0 : index
    %swap3A_27 = arith.constant 2 : index
    %swap3A_28 = arith.constant 0 : index
    %swap3A_29 = arith.constant 0 : index
    %swap3A_30 = vector.load %arg4[%swap3A_26, %swap3A_27, %swap3A_28, %swap3A_29] : memref<1x8x256x768xf32, #tpu.memory_space<vmem>>, vector<1x1x256x768xf32>
    %swap3A_31 = vector.shape_cast %swap3A_30 : vector<1x1x256x768xf32> to vector<256x768xf32>
    %swap3A_32 = vector.shape_cast %broadcast_in_dim3A_25 : vector<256x768xf32> to vector<1x1x256x768xf32>
    tpu.vector_store %arg4[%swap3A_26, %swap3A_27, %swap3A_28, %swap3A_29], %swap3A_32 {strides = array<i32>} : memref<1x8x256x768xf32, #tpu.memory_space<vmem>>, vector<1x1x256x768xf32>,
    %get3A_33 = arith.constant 3 : index
    %get3A_34 = arith.constant 0 : index
    %get3A_35 = vector.load %arg2[%get3A_33, %get3A_34] : memref<8x768xf32, #tpu.memory_space<vmem>>, vector<1x768xf32>
    %broadcast_in_dim3A_36 = vector.shape_cast %get3A_35 : vector<1x768xf32> to vector<1x768xf32>
    %broadcast_in_dim3A_37 = vector.broadcast %broadcast_in_dim3A_36 : vector<1x768xf32> to vector<256x768xf32>
    %swap3A_38 = arith.constant 0 : index
    %swap3A_39 = arith.constant 3 : index
    %swap3A_40 = arith.constant 0 : index
    %swap3A_41 = arith.constant 0 : index
    %swap3A_42 = vector.load %arg4[%swap3A_38, %swap3A_39, %swap3A_40, %swap3A_41] : memref<1x8x256x768xf32, #tpu.memory_space<vmem>>, vector<1x1x256x768xf32>
    %swap3A_43 = vector.shape_cast %swap3A_42 : vector<1x1x256x768xf32> to vector<256x768xf32>
    %swap3A_44 = vector.shape_cast %broadcast_in_dim3A_37 : vector<256x768xf32> to vector<1x1x256x768xf32>
    tpu.vector_store %arg4[%swap3A_38, %swap3A_39, %swap3A_40, %swap3A_41], %swap3A_44 {strides = array<i32>} : memref<1x8x256x768xf32, #tpu.memory_space<vmem>>, vector<1x1x256x768xf32>,
    %get3A_45 = arith.constant 4 : index
    %get3A_46 = arith.constant 0 : index
    %get3A_47 = vector.load %arg2[%get3A_45, %get3A_46] : memref<8x768xf32, #tpu.memory_space<vmem>>, vector<1x768xf32>
    %broadcast_in_dim3A_48 = vector.shape_cast %get3A_47 : vector<1x768xf32> to vector<1x768xf32>
    %broadcast_in_dim3A_49 = vector.broadcast %broadcast_in_dim3A_48 : vector<1x768xf32> to vector<256x768xf32>
    %swap3A_50 = arith.constant 0 : index
    %swap3A_51 = arith.constant 4 : index
    %swap3A_52 = arith.constant 0 : index
    %swap3A_53 = arith.constant 0 : index
    %swap3A_54 = vector.load %arg4[%swap3A_50, %swap3A_51, %swap3A_52, %swap3A_53] : memref<1x8x256x768xf32, #tpu.memory_space<vmem>>, vector<1x1x256x768xf32>
    %swap3A_55 = vector.shape_cast %swap3A_54 : vector<1x1x256x768xf32> to vector<256x768xf32>
    %swap3A_56 = vector.shape_cast %broadcast_in_dim3A_49 : vector<256x768xf32> to vector<1x1x256x768xf32>
    tpu.vector_store %arg4[%swap3A_50, %swap3A_51, %swap3A_52, %swap3A_53], %swap3A_56 {strides = array<i32>} : memref<1x8x256x768xf32, #tpu.memory_space<vmem>>, vector<1x1x256x768xf32>,
    %get3A_57 = arith.constant 5 : index
    %get3A_58 = arith.constant 0 : index
    %get3A_59 = vector.load %arg2[%get3A_57, %get3A_58] : memref<8x768xf32, #tpu.memory_space<vmem>>, vector<1x768xf32>
    %broadcast_in_dim3A_60 = vector.shape_cast %get3A_59 : vector<1x768xf32> to vector<1x768xf32>
    %broadcast_in_dim3A_61 = vector.broadcast %broadcast_in_dim3A_60 : vector<1x768xf32> to vector<256x768xf32>
    %swap3A_62 = arith.constant 0 : index
    %swap3A_63 = arith.constant 5 : index
    %swap3A_64 = arith.constant 0 : index
    %swap3A_65 = arith.constant 0 : index
    %swap3A_66 = vector.load %arg4[%swap3A_62, %swap3A_63, %swap3A_64, %swap3A_65] : memref<1x8x256x768xf32, #tpu.memory_space<vmem>>, vector<1x1x256x768xf32>
    %swap3A_67 = vector.shape_cast %swap3A_66 : vector<1x1x256x768xf32> to vector<256x768xf32>
    %swap3A_68 = vector.shape_cast %broadcast_in_dim3A_61 : vector<256x768xf32> to vector<1x1x256x768xf32>
    tpu.vector_store %arg4[%swap3A_62, %swap3A_63, %swap3A_64, %swap3A_65], %swap3A_68 {strides = array<i32>} : memref<1x8x256x768xf32, #tpu.memory_space<vmem>>, vector<1x1x256x768xf32>,
    %get3A_69 = arith.constant 6 : index
    %get3A_70 = arith.constant 0 : index
    %get3A_71 = vector.load %arg2[%get3A_69, %get3A_70] : memref<8x768xf32, #tpu.memory_space<vmem>>, vector<1x768xf32>
    %broadcast_in_dim3A_72 = vector.shape_cast %get3A_71 : vector<1x768xf32> to vector<1x768xf32>
    %broadcast_in_dim3A_73 = vector.broadcast %broadcast_in_dim3A_72 : vector<1x768xf32> to vector<256x768xf32>
    %swap3A_74 = arith.constant 0 : index
    %swap3A_75 = arith.constant 6 : index
    %swap3A_76 = arith.constant 0 : index
    %swap3A_77 = arith.constant 0 : index
    %swap3A_78 = vector.load %arg4[%swap3A_74, %swap3A_75, %swap3A_76, %swap3A_77] : memref<1x8x256x768xf32, #tpu.memory_space<vmem>>, vector<1x1x256x768xf32>
    %swap3A_79 = vector.shape_cast %swap3A_78 : vector<1x1x256x768xf32> to vector<256x768xf32>
    %swap3A_80 = vector.shape_cast %broadcast_in_dim3A_73 : vector<256x768xf32> to vector<1x1x256x768xf32>
    tpu.vector_store %arg4[%swap3A_74, %swap3A_75, %swap3A_76, %swap3A_77], %swap3A_80 {strides = array<i32>} : memref<1x8x256x768xf32, #tpu.memory_space<vmem>>, vector<1x1x256x768xf32>,
    %get3A_81 = arith.constant 7 : index
    %get3A_82 = arith.constant 0 : index
    %get3A_83 = vector.load %arg2[%get3A_81, %get3A_82] : memref<8x768xf32, #tpu.memory_space<vmem>>, vector<1x768xf32>
    %broadcast_in_dim3A_84 = vector.shape_cast %get3A_83 : vector<1x768xf32> to vector<1x768xf32>
    %broadcast_in_dim3A_85 = vector.broadcast %broadcast_in_dim3A_84 : vector<1x768xf32> to vector<256x768xf32>
    %swap3A_86 = arith.constant 0 : index
    %swap3A_87 = arith.constant 7 : index
    %swap3A_88 = arith.constant 0 : index
    %swap3A_89 = arith.constant 0 : index
    %swap3A_90 = vector.load %arg4[%swap3A_86, %swap3A_87, %swap3A_88, %swap3A_89] : memref<1x8x256x768xf32, #tpu.memory_space<vmem>>, vector<1x1x256x768xf32>
    %swap3A_91 = vector.shape_cast %swap3A_90 : vector<1x1x256x768xf32> to vector<256x768xf32>
    %swap3A_92 = vector.shape_cast %broadcast_in_dim3A_85 : vector<256x768xf32> to vector<1x1x256x768xf32>
    tpu.vector_store %arg4[%swap3A_86, %swap3A_87, %swap3A_88, %swap3A_89], %swap3A_92 {strides = array<i32>} : memref<1x8x256x768xf32, #tpu.memory_space<vmem>>, vector<1x1x256x768xf32>,
    return
  }
  func.func @transform_0(%arg0: i32, %arg1: i32) -> (i32, i32) {
    %c0_i32 = arith.constant 0 : i32
    %c0_i32_0 = arith.constant 0 : i32
    %c0_i32_1 = arith.constant 0 : i32
    return %c0_i32, %c0_i32_0 : i32, i32
  }
  func.func @transform_2(%arg0: i32, %arg1: i32) -> (i32, i32, i32, i32) {
    %add3A = arith.constant 3 : i32
    %add3A_0 = arith.addi %arg1, %add3A : i32
    %c0_i32 = arith.constant 0 : i32
    %c0_i32_1 = arith.constant 0 : i32
    %c0_i32_2 = arith.constant 0 : i32
    return %arg0, %c0_i32, %add3A_0, %c0_i32_1 : i32, i32, i32, i32
  }
}

</mosaic_0001>

<sc_bundles>
// kernel: kernel.5.cloned.1.call-start
scs
__scs_entry_jumppad:
0x0: {  	(pc) =	sbr.rel $0x88, $3  }
0x1: {  	(tag) =	ssettag $0x0;
	lr =	simm.s32 $0x1  }
0x2: {  	[smem:$0x3F98] =	sst lr;
	_ =	strace $0xD0000000  }
0x3: {  	_ = 	snop  }
0x4: {  	_ = 	snop  }
0x5: {  	_ = 	snop  }
0x6: {  	_ = 	snop  }
0x7: {  	_ = 	snop  }
__scs_overlays_trampoline_lowered:
0x8: {  	[smem:$0x3FA7] =	sst s0  }
0x9: {  	[smem:$0x3FA8] =	sst s1  }
0xa: {  	[smem:$0x3FA9] =	sst s2  }
0xb: {  	[smem:$0x3FAA] =	sst s3  }
0xc: {  	[smem:$0x3FAB] =	sst s4  }
0xd: {  	[smem:$0x3FAC] =	sst s5  }
0xe: {  	[smem:$0x3FAD] =	sst s6  }
0xf: {  	[smem:$0x3FAE] =	sst s7  }
0x10: {  	[smem:$0x3FAF] =	sst s8  }
0x11: {  	[smem:$0x3FB0] =	sst s9;
	s0 =	simm.s32 @!p0 $0x0  }
0x12: {  	s1 =	sld [smem:$0x3F96];
	s0 =	simm.s32 @p0 $0x1  }
0x13: {  	[smem:$0x3FB1] =	sst s0;
	s0 =	simm.s32 @!p1 $0x0  }
0x14: {  	s2 =	sld [smem:$0x3F95];
	s0 =	simm.s32 @p1 $0x1  }
0x15: {  	[smem:$0x3FB2] =	sst s0;
	s0 =	simm.s32 @!p2 $0x0  }
0x16: {  	s3 =	sld [smem:$0x3FDB];
	s0 =	simm.s32 @p2 $0x1  }
0x17: {  	s4 =	simm.s32 $0x1BF5;
	[smem:$0x3FB4] =	sst s0  }
0x18: {  	s0 =	sld [smem:$0x3F97];
	_ =	swait.ge [sflag:s4], $0x0  }
0x19: {  	s7 =	sld [smem:$0x3F98]  }
0x1a: {  	s8 =	sadd.s32 $0xFFFFE003, lr  }
0x1b: {  	s9 =	sadd.s32 $0xFFFFFEF7, lr;
	s5 =	simm.s32 $0xFFFFFFFF;
	p2 =	slt.u32 s8, $0xFFFFF086  }
0x1c: {  	p1 =	slt.u32 s9, $0xF7A;
	s5 =	simm.s32 @!p2 $0x0  }
0x1d: {  	s5 =	simm.s32 @p1 $0x1;
	p0 =	seq.s32 s7, s2  }
0x1e: {  	s7 =	smul.u32 @!p0 $0xF7A, s2;
	p2 =	seq.s32 @!p0 s5, $0x0  }
0x1f: {  	s9 =	smul.u32 $0xF7A, s1;
	s8 =	simm.s32 @!p0 $0x1BF5;
	p2 =	por !p2, p0  }
0x20: {  	[sflag:s8] =	ssyncset.s32 @!p0 $0xFFFFF086;
	s6 =	sadd.s32 @!p0 s3, s7;
	s7 =	simm.s32 @!p0 $0x108  }
0x21: {  	s3 =	sadd.s32 s3, s9;
	s6 =	sadd.s32 @!p0 $0x88, s6;
	s7 =	simm.s32 @p2 $0x1082  }
0x22: {  	[simem:s7], [sflag:s8] =	dma.local @!p0 [hbm:s6], $0xF7A  }
0x23: {  	s9 =	sor.u32 $0xD0000000, s2;
	s6 =	simm.s32 $0x108;
	_ =	swait.ge @!p0 [sflag:s8], $0x0  }
0x24: {  	s3 =	sadd.s32 $0x88, s3;
	s6 =	simm.s32 @!p1 $0x1082;
	[sflag:s4] =	ssyncset.s32 $0xFFFFF086  }
0x25: {  	[simem:s6], [sflag:s4] =	dma.local [hbm:s3], $0xF7A  }
0x26: {  	[smem:$0x3F98] =	sst s1;
	(tag) =	ssettag s2;
	_ =	strace s9  }
0x27: {  	s1 =	sld [smem:$0x3FA8]  }
0x28: {  	s2 =	sld [smem:$0x3FA9]  }
0x29: {  	s4 =	sld [smem:$0x3FAB]  }
0x2a: {  	p0 =	seq.s32 s5, $0x0;
	s5 =	sld [smem:$0x3FAC]  }
0x2b: {  	s6 =	sld [smem:$0x3FAD]  }
0x2c: {  	s7 =	sld [smem:$0x3FAE]  }
0x2d: {  	s3 =	simm.s32 $0x108;
	s8 =	sld [smem:$0x3FAF]  }
0x2e: {  	s3 =	simm.s32 @!p0 $0x1082;
	s9 =	sld [smem:$0x3FB0]  }
0x2f: {  	lr =	sadd.s32 s0, s3;
	s0 =	sld [smem:$0x3FA7]  }
0x30: {  	s3 =	sld [smem:$0x3FAA]  }
0x31: {  	[smem:$0x3FB3] =	sst s10  }
0x32: {  	s10 =	sld [smem:$0x3FB1];
	_ =	sdelay $0x3  }
0x33: {  	p0 =	seq.s32 s10, $0x1;
	s10 =	sld [smem:$0x3FB3];
	_ =	sdelay $0x3  }
0x34: {  	[smem:$0x3FB3] =	sst s10  }
0x35: {  	s10 =	sld [smem:$0x3FB2];
	_ =	sdelay $0x3  }
0x36: {  	p1 =	seq.s32 s10, $0x1;
	s10 =	sld [smem:$0x3FB3];
	_ =	sdelay $0x3  }
0x37: {  	[smem:$0x3FB3] =	sst s10  }
0x38: {  	s10 =	sld [smem:$0x3FB4]  }
0x39: {  	_ = 	snop;
	(pc) =	sbr.ind lr, $3  }
0x3a: {  	_ = 	snop  }
0x3b: {  	_ = 	snop  }
0x3c: {  	p2 =	seq.s32 s10, $0x1;
	s10 =	sld [smem:$0x3FB3]  }
0x3d: {  	_ =	shalt  }
0x3e: {  	_ =	shalt  }
0x3f: {  	_ =	shalt  }
0x40: {  	_ =	shalt  }
0x41: {  	_ =	shalt  }
0x42: {  	_ =	shalt  }
0x43: {  	_ =	shalt  }
0x44: {  	_ =	shalt  }
0x45: {  	_ =	shalt  }
0x46: {  	_ =	shalt  }
0x47: {  	_ =	shalt  }
0x48: {  	_ =	shalt  }
0x49: {  	_ =	shalt  }
0x4a: {  	_ =	shalt  }
0x4b: {  	_ =	shalt  }
0x4c: {  	_ =	shalt  }
0x4d: {  	_ =	shalt  }
0x4e: {  	_ =	shalt  }
0x4f: {  	_ =	shalt  }
0x50: {  	_ =	shalt  }
0x51: {  	_ =	shalt  }
0x52: {  	_ =	shalt  }
0x53: {  	_ =	shalt  }
0x54: {  	_ =	shalt  }
0x55: {  	_ =	shalt  }
0x56: {  	_ =	shalt  }
0x57: {  	_ =	shalt  }
0x58: {  	_ =	shalt  }
0x59: {  	_ =	shalt  }
0x5a: {  	_ =	shalt  }
0x5b: {  	_ =	shalt  }
0x5c: {  	_ =	shalt  }
0x5d: {  	_ =	shalt  }
0x5e: {  	_ =	shalt  }
0x5f: {  	_ =	shalt  }
0x60: {  	_ =	shalt  }
0x61: {  	_ =	shalt  }
0x62: {  	_ =	shalt  }
0x63: {  	_ =	shalt  }
0x64: {  	_ =	shalt  }
0x65: {  	_ =	shalt  }
0x66: {  	_ =	shalt  }
0x67: {  	_ =	shalt  }
0x68: {  	_ =	shalt  }
0x69: {  	_ =	shalt  }
0x6a: {  	_ =	shalt  }
0x6b: {  	_ =	shalt  }
0x6c: {  	_ =	shalt  }
0x6d: {  	_ =	shalt  }
0x6e: {  	_ =	shalt  }
0x6f: {  	_ =	shalt  }
0x70: {  	_ =	shalt  }
0x71: {  	_ =	shalt  }
0x72: {  	_ =	shalt  }
0x73: {  	_ =	shalt  }
0x74: {  	_ =	shalt  }
0x75: {  	_ =	shalt  }
0x76: {  	_ =	shalt  }
0x77: {  	_ =	shalt  }
0x78: {  	_ =	shalt  }
0x79: {  	_ =	shalt  }
0x7a: {  	_ =	shalt  }
0x7b: {  	_ =	shalt  }
0x7c: {  	_ =	shalt  }
0x7d: {  	_ =	shalt  }
0x7e: {  	_ =	shalt  }
0x7f: {  	_ =	shalt  }
0x80: {  	_ =	shalt  }
0x81: {  	_ =	shalt  }
0x82: {  	_ =	shalt  }
0x83: {  	_ =	shalt  }
0x84: {  	_ =	shalt  }
0x85: {  	_ =	shalt  }
0x86: {  	_ =	shalt  }
0x87: {  	_ =	shalt  }
.Lfunc_end0:
.L_simem_size_0:
called_computation_lowered:
.L_overlay_start_0:
0x88: {  	s2 =	sld [smem:$0x3FD9]  }
0x89: {  	s3 =	sld [smem:$0x3FFE];
	_ =	sdelay $0x1  }
0x8a: {  	s1 =	srdreg.scid  }
0x8b: {  	s0 =	sand.u32 $0x1, s1  }
0x8c: {  	s15 =	sshll.u32 s0, $0xA;
	s2 =	sadd.s32 s3, s2  }
0x8d: {  	s2 =	sadd.s32 s2, s15  }
0x8e: {  	[smem:$0x3FBF] =	sst s2  }
0x8f: {  	_ = 	snop  }
0x90: {  	s2 =	sld [smem:$0x3FD0];
	_ =	sdelay $0x2  }
0x91: {  	s4 =	simm.s32 $0xA;
	s5 =	simm.s32 $0x10;
	s16 =	sld [smem:$0x3FC2]  }
0x92: {  	[smem:s5], [sflag:s4] =	dma.local [hbm:s2], $0x1  }
0x93: {  	_ =	swait.eq [sflag:s4], $0x1  }
0x94: {  	[sflag:s4] =	ssyncset.done $0x0  }
0x95: {  	[sflag:s4] =	ssyncadd.s32 $0xFFFFFFFF  }
0x96: {  	s17 =	sld [smem:$0x11];
	(tm) =	ssettm $0x1  }
0x97: {  	s18 =	sld [smem:$0x3FFB];
	_ =	sdelay $0x3  }
0x98: {  	_ =	strace s18  }
0x99: {  	s4 =	sld [smem:$0x3FFC];
	_ =	sdelay $0x3  }
0x9a: {  	_ =	strace s4  }
0x9b: {  	s4 =	sld [smem:$0x3FFD];
	_ =	sdelay $0x3  }
0x9c: {  	_ =	strace s4  }
0x9d: {  	_ =	strace $0x8FFFFFFF  }
0x9e: {  	s19 =	sld [smem:$0x3FDB];
	_ =	sdelay $0x1  }
0x9f: {  	s20 =	simm.s32 $_scs_section_size  }
0xa0: {  	s6 =	simm.s32 $_size__tile_overlayer_lowered;
	s7 =	simm.s32 $_tile_overlayer_lowered  }
0xa1: {  	s23 =	simm.s32 $0x1BFF;
	s22 =	sshll.u32 s7, $0x1;
	s4 =	sadd.s32 s20, s19  }
0xa2: {  	s8 =	simm.s32 $0x0;
	s21 =	sshll.u32 s6, $0x1;
	s6 =	sadd.s32 s22, s4  }
0xa3: {  	[timem:s8], [sflag:s23] =	dma.local [hbm:s6], s21  }
0xa4: {  	_ =	swait.ge [sflag:s23], s21  }
0xa5: {  	s5 =	ssub.s32 $0x0, s21;
	[sflag:s23] =	ssyncset.done $0x0  }
0xa6: {  	[sflag:s23] =	ssyncadd.s32 s5;
	_ =	sdelay $0x1  }
0xa7: {  	s24 =	simm.s32 $0x1B8B  }
0xa8: {  	_ =	swait.ge [sflag:s24], $0x1  }
0xa9: {  	[sflag:s24] =	ssyncset.done $0x0  }
0xaa: {  	s25 =	simm.s32 $0x1B8E;
	[sflag:s24] =	ssyncadd.s32 $0xFFFFFFFF  }
0xab: {  	s26 =	simm.s32 $execute0_lowered;
	[smem:$0x3FD2] =	sst s25  }
0xac: {  	s5 =	sshll.u32 s26, $0x1;
	_ =	strace $0x80000046;
	[dreg:$0x1] =	wrdreg $0xFFFFFFFF  }
0xad: {  	s28 =	simm.s32 $_size_execute0_lowered;
	s4 =	sadd.s32 s4, s5;
	[dreg:$0x0] =	wrdreg $0x0  }
0xae: {  	s5 =	sshll.u32 s28, $0x1;
	[dreg:$0x2] =	wrdreg s4  }
0xaf: {  	[dreg:$0x3] =	wrdreg s5  }
0xb0: {  	[dreg:$0x4] =	wrdreg $0xC0  }
0xb1: {  	_ =	task [dreg:s8], $0x5FFFF  }
0xb2: {  	[dreg:$0x1] =	wrdreg $0xFFFFFFFF  }
0xb3: {  	[dreg:$0x0] =	wrdreg $0x60  }
0xb4: {  	[dreg:$0x2] =	wrdreg s16  }
0xb5: {  	[dreg:$0x3] =	wrdreg s17  }
0xb6: {  	[dreg:$0x4] =	wrdreg $0x9  }
0xb7: {  	_ =	task.clear_ibuf [dreg:s8], $0x5FFFF;
	_ =	strace $0x90000046  }
0xb8: {  	s29 =	simm.s32 $0x9;
	_ =	strace $0x80000048  }
0xb9: {  	_ =	swait.ge [sflag:s29], $0x1  }
0xba: {  	[sflag:s29] =	ssyncadd.s32 $0xFFFFFFFF  }
0xbb: {  	_ =	strace $0x90000048  }
0xbc: {  	_ =	sfence  }
0xbd: {  	s30 =	sld [smem:$0x0];
	_ =	sdelay $0x2  }
0xbe: {  	s31 =	sshll.u32 s1, $0xD;
	s1 =	sshrl.u32 s1, $0x2  }
0xbf: {  	s3 =	sand.u32 $0x4000, s31;
	s1 =	sadd.s32 s1, s30  }
0xc0: {  	s0 =	sor.u32 s3, s0;
	s1 =	sshll.u32 s1, $0x11  }
0xc1: {  	s0 =	sor.u32 s1, s0  }
0xc2: {  	s0 =	sadd.s32 $0x8F2B, s0  }
0xc3: {  	[sflag:s0] =	ssyncadd.remote.s32 $0x1  }
0xc4: {  	_ =	sfence.sel $0xFFFF  }
0xc5: {  	[dreg:$0x0] =	wrdreg $0xFFFFFFFF;
	(pc) =	sbr.abs _section_cstart, $3  }
0xc6: {  	[dreg:$0x1] =	wrdreg $0xFFFFFFFF  }
0xc7: {  	_ =	task.clear_ibuf [dreg:s8], $0x2FFFF;
	_ =	strace $0x9FFFFFFF  }
0xc8: {  	(tm) =	ssettm $0x7FFFFFFF  }
0xc9: {  	_ =	shalt  }
tec
execute0_lowered:
.L_overlay_start_1:
0x0: {  	(tag) =	ssettag $0x1  }
0x1: {  	s1 =	srdreg.scid;
	s0 =	stileid.u32  }
0x2: {  	s2 =	rddreg [dreg:$0x0];
	s1 =	sand.u32 $0x1, s1;
	s3 =	sshll.u32 s0, $0x1  }
0x3: {  	s4 =	rddreg [dreg:$0x1];
	s5 =	sor.u32 s1, s3;
	s3 =	simm.s32 $0x0  }
0x4: {  	s24 =	simm.s32 $0x880;
	[smem:$0x7FF] =	sst s3  }
0x5: {  	s25 =	simm.s32 $0x1080;
	_ =	strace $0x80000047;
	[dreg:$0x8] =	wrdreg s24  }
0x6: {  	s26 =	simm.s32 $0x1880;
	[dreg:$0x9] =	wrdreg s25  }
0x7: {  	s0 =	simm.s32 $0x2080;
	[dreg:$0xa] =	wrdreg s26  }
0x8: {  	s7 =	simm.s32 $0x2880;
	[dreg:$0xb] =	wrdreg s0  }
0x9: {  	s8 =	simm.s32 $0x3080;
	[dreg:$0xc] =	wrdreg s7  }
0xa: {  	s9 =	simm.s32 $0x3880;
	[dreg:$0xd] =	wrdreg s8  }
0xb: {  	s10 =	simm.s32 $0x4080;
	[dreg:$0xe] =	wrdreg s9  }
0xc: {  	s11 =	simm.s32 $0x4880;
	[dreg:$0xf] =	wrdreg s10  }
0xd: {  	s12 =	simm.s32 $0x5080;
	[dreg:$0x10] =	wrdreg s11  }
0xe: {  	s13 =	simm.s32 $0x5880;
	[dreg:$0x11] =	wrdreg s12  }
0xf: {  	s14 =	simm.s32 $0x6080;
	[dreg:$0x12] =	wrdreg s13  }
0x10: {  	s15 =	simm.s32 $0x6880;
	s16 =	simm.s32 $0x7080;
	[dreg:$0x13] =	wrdreg s14  }
0x11: {  	s17 =	simm.s32 $0x7880;
	s18 =	simm.s32 $0x8080;
	[dreg:$0x14] =	wrdreg s15  }
0x12: {  	s19 =	simm.s32 $0x8880;
	s28 =	simm.s32 $0x16080;
	[dreg:$0x15] =	wrdreg s16  }
0x13: {  	s29 =	simm.s32 $0x16880;
	s30 =	simm.s32 $0x17080;
	[dreg:$0x16] =	wrdreg s17  }
0x14: {  	s31 =	simm.s32 $0x17880;
	s1 =	ssub.s32 $0x2, s1;
	[dreg:$0x17] =	wrdreg s18  }
0x15: {  	s6 =	smul.u32 $0x30000, s5;
	[dreg:$0x18] =	wrdreg s19;
	s7 =	sshrl.u32 s1, $0x1  }
0x16: {  	s17 =	sand.u32 $0x7, s5;
	s5 =	sadd.s32 $0x100, s2;
	s24 =	simm.s32 $0xB080  }
0x17: {  	s8 =	simm.s32 $0xB880;
	s25 =	simm.s32 $0xC080;
	s26 =	simm.s32 $0xC880  }
0x18: {  	s10 =	simm.s32 $0xD880;
	s11 =	simm.s32 $0xE080;
	s12 =	simm.s32 $0xE880  }
0x19: {  	s13 =	simm.s32 $0xF080;
	s14 =	simm.s32 $0xF880;
	[dreg:$0x1d] =	wrdreg s24  }
0x1a: {  	s15 =	simm.s32 $0x10080;
	s16 =	simm.s32 $0x10880;
	[dreg:$0x1e] =	wrdreg s8  }
0x1b: {  	s18 =	simm.s32 $0x11880;
	s4 =	sadd.s32 s4, s6;
	[dreg:$0x1f] =	wrdreg s25  }
0x1c: {  	s19 =	simm.s32 $0x12080;
	[smem:$0x7FD] =	sst s26;
	s6 =	sadd.s32 $0x3000, s4  }
0x1d: {  	s1 =	ssub.s32 s1, s7;
	s20 =	sadd.s32 $0x6000, s4;
	[dreg:$0x3] =	wrdreg s6  }
0x1e: {  	s8 =	simm.s32 $0x80;
	s21 =	sadd.s32 $0x9000, s4;
	[dreg:$0x4] =	wrdreg s20  }
0x1f: {  	v0 =	vmov s17;
	s17 =	simm.s32 $0x11080;
	s22 =	sadd.s32 $0xC000, s4;
	[dreg:$0x5] =	wrdreg s21  }
0x20: {  	s24 =	simm.s32 $0x14880;
	s23 =	sadd.s32 $0xF000, s4;
	[dreg:$0x6] =	wrdreg s22  }
0x21: {  	s25 =	simm.s32 $0x15080;
	[dreg:$0x7] =	wrdreg s23;
	s20 =	simm.s32 $0x9080  }
0x22: {  	v2 =	vlaneseq.u32;
	s26 =	simm.s32 $0x15880;
	s21 =	simm.s32 $0x9880;
	[dreg:$0x19] =	wrdreg s20  }
0x23: {  	v1 =	vand.u32 $0x7, v2;
	v3 =	vshrl.u32 v2, $0x3;
	v2 =	vor.u32 $0x8, v2;
	s7 =	smax.u32 s1, $0x1;
	s22 =	simm.s32 $0xA080;
	[dreg:$0x1a] =	wrdreg s21  }
0x24: {  	v3 =	vmul.u32 $0x8, v3;
	v4 =	vperm.xlane v0, v1;
	v5 =	vperm.xlane v0, v2;
	s1 =	simm.s32 $0x1;
	s23 =	simm.s32 $0xA880;
	[dreg:$0x1b] =	wrdreg s22  }
0x25: {  	s6 =	sadd.s32 $0x200, s2;
	[dreg:$0x1c] =	wrdreg s23;
	s20 =	simm.s32 $0x12880  }
0x26: {  	vm0 =	vmmov $0xffff;
	s21 =	simm.s32 $0x13080;
	s22 =	simm.s32 $0x13880;
	s23 =	simm.s32 $0x14080;
	v4 =	vadd.s32 v3, v4;
	v5 =	vadd.s32 v3, v5  }
.LBB2_1:
0x27: {  	[tilespmem:$0x0] =	vst v0  }
0x28: {  	[tilespmem:$0x10] =	vst v0  }
0x29: {  	[tilespmem:$0x20] =	vst v0  }
0x2a: {  	[tilespmem:$0x30] =	vst v0  }
0x2b: {  	[tilespmem:$0x40] =	vst v0  }
0x2c: {  	[tilespmem:$0x50] =	vst v0  }
0x2d: {  	[tilespmem:$0x60] =	vst v0  }
0x2e: {  	[tilespmem:$0x70] =	vst v0  }
0x2f: {  	[tilespmem:s8], [sflag:$0x1] =	stream.indirect_vreg.gather [hbm4b:s2+s3], $0x80, v4, vm0, $0xb8;
	[tilespmem:$0x18080] =	vst v63  }
0x30: {  	s0 =	rddreg [dreg:$0x8]  }
0x31: {  	[tilespmem:s0], [sflag:$0x1] =	stream.indirect_vreg.gather [hbm4b:s5+s3], $0x80, v4, vm0, $0xb8;
	[tilespmem:$0x18080] =	vst v63  }
0x32: {  	s9 =	rddreg [dreg:$0x9]  }
0x33: {  	[tilespmem:s9], [sflag:$0x1] =	stream.indirect_vreg.gather [hbm4b:s6+s3], $0x80, v4, vm0, $0xb8;
	[tilespmem:$0x18080] =	vst v63  }
0x34: {  	s0 =	rddreg [dreg:$0xa]  }
0x35: {  	[tilespmem:s0], [sflag:$0x1] =	stream.indirect_vreg.gather [hbm4b:s2+s3], $0x80, v5, vm0, $0xb8;
	[tilespmem:$0x18080] =	vst v63  }
0x36: {  	s9 =	rddreg [dreg:$0xb]  }
0x37: {  	[tilespmem:s9], [sflag:$0x1] =	stream.indirect_vreg.gather [hbm4b:s5+s3], $0x80, v5, vm0, $0xb8;
	[tilespmem:$0x18080] =	vst v63  }
0x38: {  	s0 =	rddreg [dreg:$0xc]  }
0x39: {  	[tilespmem:s0], [sflag:$0x1] =	stream.indirect_vreg.gather [hbm4b:s6+s3], $0x80, v5, vm0, $0xb8;
	[tilespmem:$0x18080] =	vst v63  }
0x3a: {  	v6 =	vld [tilespmem:$0x10];
	_ =	sdelay $0x4  }
0x3b: {  	v7 =	vshrl.u32 v6, $0x3  }
0x3c: {  	v7 =	vmul.u32 $0x30, v7  }
0x3d: {  	v6 =	vand.u32 $0x7, v6  }
0x3e: {  	v6 =	vor.u32 v6, v7  }
0x3f: {  	v7 =	vperm.xlane v6, v1;
	_ =	sdelay $0x1  }
0x40: {  	v7 =	vadd.s32 v3, v7;
	_ =	sdelay $0x3  }
0x41: {  	s0 =	rddreg [dreg:$0xd];
	v6 =	vperm.xlane v6, v2  }
0x42: {  	[tilespmem:s0], [sflag:$0x1] =	stream.indirect_vreg.gather [hbm4b:s2+s3], $0x80, v7, vm0, $0xb8;
	[tilespmem:$0x18080] =	vst v63  }
0x43: {  	s9 =	rddreg [dreg:$0xe];
	v6 =	vadd.s32 v3, v6  }
0x44: {  	[tilespmem:s9], [sflag:$0x1] =	stream.indirect_vreg.gather [hbm4b:s5+s3], $0x80, v7, vm0, $0xb8;
	[tilespmem:$0x18080] =	vst v63  }
0x45: {  	s0 =	rddreg [dreg:$0xf]  }
0x46: {  	[tilespmem:s0], [sflag:$0x1] =	stream.indirect_vreg.gather [hbm4b:s6+s3], $0x80, v7, vm0, $0xb8;
	[tilespmem:$0x18080] =	vst v63  }
0x47: {  	s9 =	rddreg [dreg:$0x10]  }
0x48: {  	[tilespmem:s9], [sflag:$0x1] =	stream.indirect_vreg.gather [hbm4b:s2+s3], $0x80, v6, vm0, $0xb8;
	[tilespmem:$0x18080] =	vst v63  }
0x49: {  	s0 =	rddreg [dreg:$0x11]  }
0x4a: {  	[tilespmem:s0], [sflag:$0x1] =	stream.indirect_vreg.gather [hbm4b:s5+s3], $0x80, v6, vm0, $0xb8;
	[tilespmem:$0x18080] =	vst v63  }
0x4b: {  	s9 =	rddreg [dreg:$0x12]  }
0x4c: {  	[tilespmem:s9], [sflag:$0x1] =	stream.indirect_vreg.gather [hbm4b:s6+s3], $0x80, v6, vm0, $0xb8;
	[tilespmem:$0x18080] =	vst v63  }
0x4d: {  	v6 =	vld [tilespmem:$0x20];
	_ =	sdelay $0x4  }
0x4e: {  	v7 =	vshrl.u32 v6, $0x3  }
0x4f: {  	v7 =	vmul.u32 $0x30, v7  }
0x50: {  	v6 =	vand.u32 $0x7, v6  }
0x51: {  	v6 =	vor.u32 v6, v7  }
0x52: {  	v7 =	vperm.xlane v6, v1;
	_ =	sdelay $0x1  }
0x53: {  	v7 =	vadd.s32 v3, v7;
	_ =	sdelay $0x3  }
0x54: {  	s0 =	rddreg [dreg:$0x13];
	v6 =	vperm.xlane v6, v2  }
0x55: {  	[tilespmem:s0], [sflag:$0x1] =	stream.indirect_vreg.gather [hbm4b:s2+s3], $0x80, v7, vm0, $0xb8;
	[tilespmem:$0x18080] =	vst v63  }
0x56: {  	s9 =	rddreg [dreg:$0x14];
	v6 =	vadd.s32 v3, v6  }
0x57: {  	[tilespmem:s9], [sflag:$0x1] =	stream.indirect_vreg.gather [hbm4b:s5+s3], $0x80, v7, vm0, $0xb8;
	[tilespmem:$0x18080] =	vst v63  }
0x58: {  	s0 =	rddreg [dreg:$0x15]  }
0x59: {  	[tilespmem:s0], [sflag:$0x1] =	stream.indirect_vreg.gather [hbm4b:s6+s3], $0x80, v7, vm0, $0xb8;
	[tilespmem:$0x18080] =	vst v63  }
0x5a: {  	s9 =	rddreg [dreg:$0x16]  }
0x5b: {  	[tilespmem:s9], [sflag:$0x1] =	stream.indirect_vreg.gather [hbm4b:s2+s3], $0x80, v6, vm0, $0xb8;
	[tilespmem:$0x18080] =	vst v63  }
0x5c: {  	s0 =	rddreg [dreg:$0x17]  }
0x5d: {  	[tilespmem:s0], [sflag:$0x1] =	stream.indirect_vreg.gather [hbm4b:s5+s3], $0x80, v6, vm0, $0xb8;
	[tilespmem:$0x18080] =	vst v63  }
0x5e: {  	s9 =	rddreg [dreg:$0x18]  }
0x5f: {  	[tilespmem:s9], [sflag:$0x1] =	stream.indirect_vreg.gather [hbm4b:s6+s3], $0x80, v6, vm0, $0xb8;
	[tilespmem:$0x18080] =	vst v63  }
0x60: {  	v6 =	vld [tilespmem:$0x30];
	_ =	sdelay $0x4  }
0x61: {  	v7 =	vshrl.u32 v6, $0x3  }
0x62: {  	v7 =	vmul.u32 $0x30, v7  }
0x63: {  	v6 =	vand.u32 $0x7, v6  }
0x64: {  	v6 =	vor.u32 v6, v7  }
0x65: {  	v7 =	vperm.xlane v6, v1;
	_ =	sdelay $0x1  }
0x66: {  	v7 =	vadd.s32 v3, v7;
	_ =	sdelay $0x3  }
0x67: {  	s0 =	rddreg [dreg:$0x19];
	v6 =	vperm.xlane v6, v2  }
0x68: {  	[tilespmem:s0], [sflag:$0x1] =	stream.indirect_vreg.gather [hbm4b:s2+s3], $0x80, v7, vm0, $0xb8;
	[tilespmem:$0x18080] =	vst v63  }
0x69: {  	s9 =	rddreg [dreg:$0x1a];
	v6 =	vadd.s32 v3, v6  }
0x6a: {  	[tilespmem:s9], [sflag:$0x1] =	stream.indirect_vreg.gather [hbm4b:s5+s3], $0x80, v7, vm0, $0xb8;
	[tilespmem:$0x18080] =	vst v63  }
0x6b: {  	s0 =	rddreg [dreg:$0x1b]  }
0x6c: {  	[tilespmem:s0], [sflag:$0x1] =	stream.indirect_vreg.gather [hbm4b:s6+s3], $0x80, v7, vm0, $0xb8;
	[tilespmem:$0x18080] =	vst v63  }
0x6d: {  	s9 =	rddreg [dreg:$0x1c]  }
0x6e: {  	[tilespmem:s9], [sflag:$0x1] =	stream.indirect_vreg.gather [hbm4b:s2+s3], $0x80, v6, vm0, $0xb8;
	[tilespmem:$0x18080] =	vst v63  }
0x6f: {  	s0 =	rddreg [dreg:$0x1d]  }
0x70: {  	[tilespmem:s0], [sflag:$0x1] =	stream.indirect_vreg.gather [hbm4b:s5+s3], $0x80, v6, vm0, $0xb8;
	[tilespmem:$0x18080] =	vst v63  }
0x71: {  	s9 =	rddreg [dreg:$0x1e]  }
0x72: {  	[tilespmem:s9], [sflag:$0x1] =	stream.indirect_vreg.gather [hbm4b:s6+s3], $0x80, v6, vm0, $0xb8;
	[tilespmem:$0x18080] =	vst v63  }
0x73: {  	v6 =	vld [tilespmem:$0x40];
	_ =	sdelay $0x4  }
0x74: {  	v7 =	vshrl.u32 v6, $0x3  }
0x75: {  	v7 =	vmul.u32 $0x30, v7  }
0x76: {  	v6 =	vand.u32 $0x7, v6  }
0x77: {  	v6 =	vor.u32 v6, v7  }
0x78: {  	v7 =	vperm.xlane v6, v1;
	_ =	sdelay $0x1  }
0x79: {  	v7 =	vadd.s32 v3, v7;
	_ =	sdelay $0x2  }
0x7a: {  	s0 =	rddreg [dreg:$0x1f]  }
0x7b: {  	s9 =	sld [smem:$0x7FD];
	v6 =	vperm.xlane v6, v2  }
0x7c: {  	[tilespmem:s0], [sflag:$0x1] =	stream.indirect_vreg.gather [hbm4b:s2+s3], $0x80, v7, vm0, $0xb8;
	[tilespmem:$0x18080] =	vst v63  }
0x7d: {  	v6 =	vadd.s32 v3, v6  }
0x7e: {  	[tilespmem:s9], [sflag:$0x1] =	stream.indirect_vreg.gather [hbm4b:s5+s3], $0x80, v7, vm0, $0xb8;
	[tilespmem:$0x18080] =	vst v63  }
0x7f: {  	s9 =	simm.s32 $0xD080  }
0x80: {  	[tilespmem:s9], [sflag:$0x1] =	stream.indirect_vreg.gather [hbm4b:s6+s3], $0x80, v7, vm0, $0xb8;
	[tilespmem:$0x18080] =	vst v63  }
0x81: {  	_ = 	snop  }
0x82: {  	[tilespmem:s10], [sflag:$0x1] =	stream.indirect_vreg.gather [hbm4b:s2+s3], $0x80, v6, vm0, $0xb8;
	[tilespmem:$0x18080] =	vst v63  }
0x83: {  	_ = 	snop  }
0x84: {  	[tilespmem:s11], [sflag:$0x1] =	stream.indirect_vreg.gather [hbm4b:s5+s3], $0x80, v6, vm0, $0xb8;
	[tilespmem:$0x18080] =	vst v63  }
0x85: {  	_ = 	snop  }
0x86: {  	[tilespmem:s12], [sflag:$0x1] =	stream.indirect_vreg.gather [hbm4b:s6+s3], $0x80, v6, vm0, $0xb8;
	[tilespmem:$0x18080] =	vst v63  }
0x87: {  	v6 =	vld [tilespmem:$0x50];
	_ =	sdelay $0x4  }
0x88: {  	v7 =	vshrl.u32 v6, $0x3  }
0x89: {  	v7 =	vmul.u32 $0x30, v7  }
0x8a: {  	v6 =	vand.u32 $0x7, v6  }
0x8b: {  	v6 =	vor.u32 v6, v7  }
0x8c: {  	v7 =	vperm.xlane v6, v1;
	_ =	sdelay $0x1  }
0x8d: {  	v7 =	vadd.s32 v3, v7;
	_ =	sdelay $0x3  }
0x8e: {  	v6 =	vperm.xlane v6, v2  }
0x8f: {  	[tilespmem:s13], [sflag:$0x1] =	stream.indirect_vreg.gather [hbm4b:s2+s3], $0x80, v7, vm0, $0xb8;
	[tilespmem:$0x18080] =	vst v63  }
0x90: {  	v6 =	vadd.s32 v3, v6  }
0x91: {  	[tilespmem:s14], [sflag:$0x1] =	stream.indirect_vreg.gather [hbm4b:s5+s3], $0x80, v7, vm0, $0xb8;
	[tilespmem:$0x18080] =	vst v63  }
0x92: {  	_ = 	snop  }
0x93: {  	[tilespmem:s15], [sflag:$0x1] =	stream.indirect_vreg.gather [hbm4b:s6+s3], $0x80, v7, vm0, $0xb8;
	[tilespmem:$0x18080] =	vst v63  }
0x94: {  	_ = 	snop  }
0x95: {  	[tilespmem:s16], [sflag:$0x1] =	stream.indirect_vreg.gather [hbm4b:s2+s3], $0x80, v6, vm0, $0xb8;
	[tilespmem:$0x18080] =	vst v63  }
0x96: {  	_ = 	snop  }
0x97: {  	[tilespmem:s17], [sflag:$0x1] =	stream.indirect_vreg.gather [hbm4b:s5+s3], $0x80, v6, vm0, $0xb8;
	[tilespmem:$0x18080] =	vst v63  }
0x98: {  	_ = 	snop  }
0x99: {  	[tilespmem:s18], [sflag:$0x1] =	stream.indirect_vreg.gather [hbm4b:s6+s3], $0x80, v6, vm0, $0xb8;
	[tilespmem:$0x18080] =	vst v63  }
0x9a: {  	v6 =	vld [tilespmem:$0x60];
	_ =	sdelay $0x4  }
0x9b: {  	v7 =	vshrl.u32 v6, $0x3  }
0x9c: {  	v7 =	vmul.u32 $0x30, v7  }
0x9d: {  	v6 =	vand.u32 $0x7, v6  }
0x9e: {  	v6 =	vor.u32 v6, v7  }
0x9f: {  	v7 =	vperm.xlane v6, v1;
	_ =	sdelay $0x1  }
0xa0: {  	v7 =	vadd.s32 v3, v7;
	_ =	sdelay $0x3  }
0xa1: {  	v6 =	vperm.xlane v6, v2  }
0xa2: {  	[tilespmem:s19], [sflag:$0x1] =	stream.indirect_vreg.gather [hbm4b:s2+s3], $0x80, v7, vm0, $0xb8;
	[tilespmem:$0x18080] =	vst v63  }
0xa3: {  	v6 =	vadd.s32 v3, v6  }
0xa4: {  	[tilespmem:s20], [sflag:$0x1] =	stream.indirect_vreg.gather [hbm4b:s5+s3], $0x80, v7, vm0, $0xb8;
	[tilespmem:$0x18080] =	vst v63  }
0xa5: {  	_ = 	snop  }
0xa6: {  	[tilespmem:s21], [sflag:$0x1] =	stream.indirect_vreg.gather [hbm4b:s6+s3], $0x80, v7, vm0, $0xb8;
	[tilespmem:$0x18080] =	vst v63  }
0xa7: {  	_ = 	snop  }
0xa8: {  	[tilespmem:s22], [sflag:$0x1] =	stream.indirect_vreg.gather [hbm4b:s2+s3], $0x80, v6, vm0, $0xb8;
	[tilespmem:$0x18080] =	vst v63  }
0xa9: {  	_ = 	snop  }
0xaa: {  	[tilespmem:s23], [sflag:$0x1] =	stream.indirect_vreg.gather [hbm4b:s5+s3], $0x80, v6, vm0, $0xb8;
	[tilespmem:$0x18080] =	vst v63  }
0xab: {  	_ = 	snop  }
0xac: {  	[tilespmem:s24], [sflag:$0x1] =	stream.indirect_vreg.gather [hbm4b:s6+s3], $0x80, v6, vm0, $0xb8;
	[tilespmem:$0x18080] =	vst v63  }
0xad: {  	v6 =	vld [tilespmem:$0x70];
	_ =	sdelay $0x4  }
0xae: {  	v7 =	vshrl.u32 v6, $0x3  }
0xaf: {  	v7 =	vmul.u32 $0x30, v7  }
0xb0: {  	v6 =	vand.u32 $0x7, v6  }
0xb1: {  	v6 =	vor.u32 v6, v7  }
0xb2: {  	v7 =	vperm.xlane v6, v1;
	_ =	sdelay $0x1  }
0xb3: {  	v7 =	vadd.s32 v3, v7;
	_ =	sdelay $0x3  }
0xb4: {  	v6 =	vperm.xlane v6, v2  }
0xb5: {  	[tilespmem:s25], [sflag:$0x1] =	stream.indirect_vreg.gather [hbm4b:s2+s3], $0x80, v7, vm0, $0xb8;
	[tilespmem:$0x18080] =	vst v63  }
0xb6: {  	v6 =	vadd.s32 v3, v6  }
0xb7: {  	[tilespmem:s26], [sflag:$0x1] =	stream.indirect_vreg.gather [hbm4b:s5+s3], $0x80, v7, vm0, $0xb8;
	[tilespmem:$0x18080] =	vst v63  }
0xb8: {  	_ = 	snop  }
0xb9: {  	[tilespmem:s28], [sflag:$0x1] =	stream.indirect_vreg.gather [hbm4b:s6+s3], $0x80, v7, vm0, $0xb8;
	[tilespmem:$0x18080] =	vst v63  }
0xba: {  	_ = 	snop  }
0xbb: {  	[tilespmem:s29], [sflag:$0x1] =	stream.indirect_vreg.gather [hbm4b:s2+s3], $0x80, v6, vm0, $0xb8;
	[tilespmem:$0x18080] =	vst v63  }
0xbc: {  	_ = 	snop  }
0xbd: {  	[tilespmem:s30], [sflag:$0x1] =	stream.indirect_vreg.gather [hbm4b:s5+s3], $0x80, v6, vm0, $0xb8;
	[tilespmem:$0x18080] =	vst v63  }
0xbe: {  	_ = 	snop  }
0xbf: {  	[tilespmem:s31], [sflag:$0x1] =	stream.indirect_vreg.gather [hbm4b:s6+s3], $0x80, v6, vm0, $0xb8;
	[tilespmem:$0x18080] =	vst v63  }
0xc0: {  	_ =	swait.ge [sflag:s1], $0x18000  }
0xc1: {  	[sflag:s1] =	ssyncset.done $0x0  }
0xc2: {  	[sflag:s1] =	ssyncadd.s32 $0xFFFE8000  }
0xc3: {  	[hbm4b:s4+s3] =	stream.linear.scatter [tilespmem:s8], [sflag:$0x1], $0x18000, $0x38;
	[tilespmem:$0x18080] =	vst v63  }
0xc4: {  	s0 =	rddreg [dreg:$0x3]  }
0xc5: {  	[hbm4b:s0+s3] =	stream.linear.scatter [tilespmem:s8], [sflag:$0x1], $0x18000, $0x38;
	[tilespmem:$0x18080] =	vst v63  }
0xc6: {  	s9 =	rddreg [dreg:$0x4]  }
0xc7: {  	[hbm4b:s9+s3] =	stream.linear.scatter [tilespmem:s8], [sflag:$0x1], $0x18000, $0x38;
	[tilespmem:$0x18080] =	vst v63  }
0xc8: {  	s0 =	rddreg [dreg:$0x5]  }
0xc9: {  	[hbm4b:s0+s3] =	stream.linear.scatter [tilespmem:s8], [sflag:$0x1], $0x18000, $0x38;
	[tilespmem:$0x18080] =	vst v63  }
0xca: {  	s9 =	rddreg [dreg:$0x6]  }
0xcb: {  	[hbm4b:s9+s3] =	stream.linear.scatter [tilespmem:s8], [sflag:$0x1], $0x18000, $0x38;
	[tilespmem:$0x18080] =	vst v63  }
0xcc: {  	s0 =	rddreg [dreg:$0x7]  }
0xcd: {  	[hbm4b:s0+s3] =	stream.linear.scatter [tilespmem:s8], [sflag:$0x1], $0x18000, $0x38;
	[tilespmem:$0x18080] =	vst v63  }
0xce: {  	_ =	swait.ge [sflag:s1], $0x18000  }
0xcf: {  	[sflag:s1] =	ssyncset.done $0x0  }
0xd0: {  	[sflag:s1] =	ssyncadd.s32 $0xFFFE8000  }
0xd1: {  	_ =	swait.ge [sflag:s1], $0x18000  }
0xd2: {  	[sflag:s1] =	ssyncset.done $0x0  }
0xd3: {  	[sflag:s1] =	ssyncadd.s32 $0xFFFE8000  }
0xd4: {  	_ =	swait.ge [sflag:s1], $0x18000  }
0xd5: {  	[sflag:s1] =	ssyncset.done $0x0  }
0xd6: {  	[sflag:s1] =	ssyncadd.s32 $0xFFFE8000  }
0xd7: {  	_ =	swait.ge [sflag:s1], $0x18000  }
0xd8: {  	[sflag:s1] =	ssyncset.done $0x0  }
0xd9: {  	[sflag:s1] =	ssyncadd.s32 $0xFFFE8000  }
0xda: {  	p0 =	sne.s32 s7, $0x1;
	_ =	swait.ge [sflag:s1], $0x18000  }
.Ltmp0:
0xdb: {  	[sflag:s1] =	ssyncset.done $0x0;
	(pc) =	sbr.rel @p0 .LBB2_1-.Ltmp0, $4  }
0xdc: {  	[sflag:s1] =	ssyncadd.s32 $0xFFFE8000  }
0xdd: {  	_ =	swait.ge [sflag:s1], $0x18000  }
0xde: {  	[sflag:s1] =	ssyncset.done $0x0  }
0xdf: {  	s7 =	sadd.s32 $0xFFFFFFFF, s7;
	[sflag:s1] =	ssyncadd.s32 $0xFFFE8000  }
0xe0: {  	_ =	sfence.sel $0x180000  }
0xe1: {  	[bflag:$0x0] =	sbarrier.arrive $0xFFFF  }
0xe2: {  	_ =	strace $0x90000047  }
0xe3: {  	s0 =	stileid.u32;
	[bflag:$0x2] =	sbarrier.arrive $0xFFFF  }
0xe4: {  	p0 =	sne.s32 s0, $0x0;
	s0 =	rddreg [dreg:$0x2]  }
0xe5: {  	s0 =	sadd.s32 @!p0 $0x100000, s0  }
0xe6: {  	[sflag:s0] =	ssyncadd.tile.s32 @!p0 $0x1;
	_ =	shalt  }
.Lfunc_end2:
_tile_overlayer_lowered:
.L_overlay_start_2:
0xe7: {  	(tag) =	ssettag $0x2  }
0xe8: {  	s0 =	rddreg [dreg:$0x0];
	s2 =	stileid.u32  }
0xe9: {  	s1 =	rddreg [dreg:$0x1];
	p0 =	sne.s32 s2, $0x0  }
0xea: {  	s3 =	rddreg [dreg:$0x2];
	[bflag:$0x3] =	sbarrier.arrive $0xFFFF;
	s2 =	simm.s32 @!p0 $0x1C02  }
0xeb: {  	[timem:s3], [sflag:s2] =	dma.local @!p0 [hbm:s0], s1  }
0xec: {  	s0 =	simm.s32 @!p0 $0x2  }
0xed: {  	_ =	swait.ge @!p0 [sflag:s0], s1  }
0xee: {  	s1 =	ssub.s32 @!p0 $0x0, s1;
	[sflag:s0] =	ssyncset.done @!p0 $0x0  }
0xef: {  	[sflag:s0] =	ssyncadd.s32 @!p0 s1  }
0xf0: {  	[bflag:$0x3] =	sbarrier.arrive $0xFFFF  }
0xf1: {  	_ =	shalt  }

</sc_bundles>
